<compile_context>
chip_gen: v7x
topology: tpu7x:2x2x1
jax: 0.10.2.dev20260603
libtpu: 0.0.44.dev20260713+nightly
codegen_flags: <defaults>
</compile_context>

<pallas_src>
import functools

import jax
import jax.numpy as jnp
from jax import lax
from jax.experimental import pallas as pl
from jax.experimental.pallas import tpu as pltpu

INPUT_DIM = 1024
HIDDEN_DIM = 8192
OUTPUT_DIM = 1024
SPARSITY = 2
ALPHA = 5.0
BETA = 0.5

_HT = 512
_NSTEP = HIDDEN_DIM // _HT
_TINY = 1.1754943508222875e-38
_KS1 = 42
_KS2 = 0x1BD11BDA ^ 42

_ROT = ((13, 15, 26, 6), (17, 29, 16, 24))


def _rotl(v, r):
    return lax.shift_left(v, r) | lax.shift_right_logical(v, 32 - r)


def _threefry_bits(j):
    ks = (0, _KS1, _KS2)
    x0 = jnp.zeros_like(j)
    x1 = j + jnp.int32(_KS1)
    for i in range(5):
        for r in _ROT[i % 2]:
            x0 = x0 + x1
            x1 = _rotl(x1, r) ^ x0
        x0 = x0 + jnp.int32(ks[(i + 1) % 3])
        x1 = x1 + jnp.int32(ks[(i + 2) % 3] + (i + 1))
    return x0 ^ x1


def _neglog_u(j):
    bits = _threefry_bits(j)
    fb = lax.shift_right_logical(bits, 9) | jnp.int32(0x3F800000)
    f = lax.bitcast_convert_type(fb, jnp.float32) - jnp.float32(1.0)
    u = jnp.maximum(_TINY, f + _TINY)
    return -jnp.log(u)


def _table_body(t0_ref, t1_ref):
    b, k = pl.program_id(0), pl.program_id(1)
    bt, ht = t0_ref.shape
    rowbase = (lax.broadcasted_iota(jnp.int32, (bt, ht), 0) + b * bt) * jnp.int32(
        SPARSITY * HIDDEN_DIM)
    col = lax.broadcasted_iota(jnp.int32, (bt, ht), 1) + k * ht
    t0_ref[...] = _neglog_u(rowbase + col)
    t1_ref[...] = _neglog_u(rowbase + col + jnp.int32(HIDDEN_DIM))


def _neglog_u_tables(nb):
    bt = min(nb, 1024)
    return pl.pallas_call(
        _table_body,
        grid=(nb // bt, _NSTEP),
        out_specs=[
            pl.BlockSpec((bt, _HT), lambda b, k: (b, k)),
            pl.BlockSpec((bt, _HT), lambda b, k: (b, k)),
        ],
        out_shape=[
            jax.ShapeDtypeStruct((nb, HIDDEN_DIM), jnp.float32),
            jax.ShapeDtypeStruct((nb, HIDDEN_DIM), jnp.float32),
        ],
    )()


def _tile_top2(v, q, t, col_i, col_f):
    big = jnp.float32(HIDDEN_DIM)
    v1 = jnp.max(v, axis=1, keepdims=True)
    j1 = jnp.min(jnp.where(v == v1, col_f, big), axis=1, keepdims=True)
    sel1 = col_f == j1
    q1 = jnp.sum(jnp.where(sel1, q, 0.0), axis=1, keepdims=True)
    t1 = jnp.sum(jnp.where(sel1, t, 0.0), axis=1, keepdims=True)
    vm = jnp.where(sel1, -jnp.inf, v)
    v2 = jnp.max(vm, axis=1, keepdims=True)
    j2 = jnp.min(jnp.where(vm == v2, col_f, big), axis=1, keepdims=True)
    sel2 = col_f == j2
    q2 = jnp.sum(jnp.where(sel2, q, 0.0), axis=1, keepdims=True)
    t2 = jnp.sum(jnp.where(sel2, t, 0.0), axis=1, keepdims=True)
    return (v1, j1, q1, t1), (v2, j2, q2, t2)


def _sample_body(x_ref, w_ref, b_ref, t0_ref, t1_ref,
                 idx0_ref, idx1_ref, corr_ref,
                 m_ref, a_ref, q_ref, t_ref, ps_ref):
    k = pl.program_id(1)
    h0 = k * _HT
    nb = x_ref.shape[0]

    @pl.when(k == 0)
    def _init():
        m_ref[...] = jnp.full_like(m_ref, -jnp.inf)
        a_ref[...] = jnp.zeros_like(a_ref)
        q_ref[...] = jnp.ones_like(q_ref)
        t_ref[...] = jnp.ones_like(t_ref)
        ps_ref[...] = jnp.zeros_like(ps_ref)

    z = lax.dot_general(x_ref[...], w_ref[...],
                        (((1,), (1,)), ((), ())),
                        preferred_element_type=jnp.float32)
    z = z + b_ref[...][None, :]
    p = 1.0 / (1.0 + jnp.exp(-ALPHA * (z - BETA)))
    ps_ref[...] += jnp.sum(p, axis=1, keepdims=True)
    q = p + 1e-30

    col_i = lax.broadcasted_iota(jnp.int32, (nb, _HT), 1)
    col_f = col_i.astype(jnp.float32)
    for s, tref in ((0, t0_ref), (1, t1_ref)):
        t = tref[...]
        v = q / t
        (tv1, tj1, tq1, tt1), (tv2, tj2, tq2, tt2) = _tile_top2(
            v, q, t, col_i, col_f)
        c0, c1 = 2 * s, 2 * s + 1
        m1, m2 = m_ref[:, c0:c0 + 1], m_ref[:, c1:c1 + 1]
        hj1 = tj1 + jnp.float32(h0)
        hj2 = tj2 + jnp.float32(h0)
        new1 = tv1 > m1
        r2m = m1 >= tv2
        r2b = m2 >= tv1
        for ref, cidx, run1, run2, til1, til2 in (
                (m_ref, (c0, c1), m1, m2, tv1, tv2),
                (q_ref, (c0, c1), q_ref[:, c0:c0 + 1], q_ref[:, c1:c1 + 1],
                 tq1, tq2),
                (t_ref, (c0, c1), t_ref[:, c0:c0 + 1], t_ref[:, c1:c1 + 1],
                 tt1, tt2),
                (a_ref, (c0, c1), a_ref[:, c0:c0 + 1].astype(jnp.float32),
                 a_ref[:, c1:c1 + 1].astype(jnp.float32), hj1, hj2),
        ):
            o1 = jnp.where(new1, til1, run1)
            o2 = jnp.where(new1, jnp.where(r2m, run1, til2),
                           jnp.where(r2b, run2, til1))
            if ref is a_ref:
                ref[:, cidx[0]:cidx[0] + 1] = o1.astype(jnp.int32)
                ref[:, cidx[1]:cidx[1] + 1] = o2.astype(jnp.int32)
            else:
                ref[:, cidx[0]:cidx[0] + 1] = o1
                ref[:, cidx[1]:cidx[1] + 1] = o2

    @pl.when(k == _NSTEP - 1)
    def _fin():
        for s, out_ref in ((0, idx0_ref), (1, idx1_ref)):
            c0, c1 = 2 * s, 2 * s + 1
            q1, q2 = q_ref[:, c0:c0 + 1], q_ref[:, c1:c1 + 1]
            t1, t2 = t_ref[:, c0:c0 + 1], t_ref[:, c1:c1 + 1]
            a1, a2 = a_ref[:, c0:c0 + 1], a_ref[:, c1:c1 + 1]
            v1 = jnp.log(q1) + (-jnp.log(t1))
            v2 = jnp.log(q2) + (-jnp.log(t2))
            use1 = (v1 > v2) | ((v1 == v2) & (a1 < a2))
            out_ref[...] = jnp.where(use1, a1, a2)[:, 0]
        corr_ref[...] = jnp.broadcast_to(
            ps_ref[...] / SPARSITY, corr_ref.shape)


_BT = 1024


def _tc_sample(xf, W_in, b_in, t0, t1):
    nb = xf.shape[0]
    nbt = nb // _BT
    return pl.pallas_call(
        _sample_body,
        grid=(nbt, _NSTEP),
        in_specs=[
            pl.BlockSpec((_BT, INPUT_DIM), lambda b, k: (b, 0)),
            pl.BlockSpec((_HT, INPUT_DIM), lambda b, k: (k, 0)),
            pl.BlockSpec((_HT,), lambda b, k: (k,)),
            pl.BlockSpec((_BT, _HT), lambda b, k: (b, k)),
            pl.BlockSpec((_BT, _HT), lambda b, k: (b, k)),
        ],
        out_specs=[
            pl.BlockSpec((_BT,), lambda b, k: (b,)),
            pl.BlockSpec((_BT,), lambda b, k: (b,)),
            pl.BlockSpec((_BT, 16), lambda b, k: (b, 0)),
        ],
        out_shape=[
            jax.ShapeDtypeStruct((nb,), jnp.int32),
            jax.ShapeDtypeStruct((nb,), jnp.int32),
            jax.ShapeDtypeStruct((nb, 16), jnp.float32),
        ],
        scratch_shapes=[
            pltpu.VMEM((_BT, 4), jnp.float32),
            pltpu.VMEM((_BT, 4), jnp.int32),
            pltpu.VMEM((_BT, 4), jnp.float32),
            pltpu.VMEM((_BT, 4), jnp.float32),
            pltpu.VMEM((_BT, 1), jnp.float32),
        ],
    )(xf, W_in, b_in, t0, t1)


def _make_sc_gather(nb):
    from jax.experimental.pallas import tpu_sc as plsc

    info = plsc.get_sparse_core_info()
    nw = info.num_cores * info.num_subcores
    rows_per_w = nb // nw
    cb = 32
    nchunk = rows_per_w // cb
    mesh = plsc.VectorSubcoreMesh(core_axis_name="c", subcore_axis_name="s")

    @functools.partial(
        pl.kernel, mesh=mesh,
        out_type=jax.ShapeDtypeStruct((nb, OUTPUT_DIM), jnp.float32),
        scratch_types=[
            pltpu.VMEM((cb,), jnp.int32),
            pltpu.VMEM((cb,), jnp.int32),
            pltpu.VMEM((cb, OUTPUT_DIM), jnp.float32),
            pltpu.VMEM((cb, OUTPUT_DIM), jnp.float32),
            pltpu.VMEM((cb, 16), jnp.float32),
            pltpu.SemaphoreType.DMA,
            pltpu.SemaphoreType.DMA,
        ],
    )
    def sc_gather(idx0_hbm, idx1_hbm, corr_hbm, table_hbm, out_hbm,
                  idx0_v, idx1_v, rows0_v, rows1_v, corr_v, sem0, sem1):
        wid = lax.axis_index("s") * info.num_cores + lax.axis_index("c")
        base = wid * rows_per_w
        for c in range(nchunk):
            off = base + c * cb
            pltpu.sync_copy(idx0_hbm.at[pl.ds(off, cb)], idx0_v)
            pltpu.sync_copy(idx1_hbm.at[pl.ds(off, cb)], idx1_v)
            pltpu.sync_copy(corr_hbm.at[pl.ds(off, cb)], corr_v)
            cp0 = pltpu.async_copy(table_hbm.at[idx0_v], rows0_v, sem0)
            cp1 = pltpu.async_copy(table_hbm.at[idx1_v], rows1_v, sem1)
            cp0.wait()
            cp1.wait()

            def row_body(r, carry):
                cv = corr_v[r]

                def col_body(cc, carry2):
                    sl = pl.ds(cc * 16, 16)
                    a = rows0_v[r, sl]
                    b = rows1_v[r, sl]
                    rows0_v[r, sl] = (a + b) * cv
                    return carry2

                return lax.fori_loop(0, OUTPUT_DIM // 16, col_body, carry)

            lax.fori_loop(0, cb, row_body, 0)
            pltpu.sync_copy(rows0_v, out_hbm.at[pl.ds(off, cb)])

    return sc_gather


def kernel(x, W_in, b_in, out_weight):
    shape0 = x.shape[:-1]
    xf = x.reshape(-1, x.shape[-1])
    nb = xf.shape[0]
    t0, t1 = _neglog_u_tables(nb)
    idx0, idx1, corr_rep = _tc_sample(xf, W_in, b_in, t0, t1)
    out = _make_sc_gather(nb)(idx0, idx1, corr_rep, out_weight)
    return out.reshape(*shape0, OUTPUT_DIM)

# --- scband reference (transcript-rebuilt; emitter-appended) ---
"""Pipeline reference for scband-sparse-mlp-83717502534160 (READ-ONLY COPY).

The authoritative reference and input builder live on the scoring server;
editing this copy changes nothing except your own understanding.
"""

import jax, jax.numpy as jnp
import numpy as np

INPUT_DIM = 1024
HIDDEN_DIM = 8192
OUTPUT_DIM = 1024
SPARSITY_DIM = 2
ALPHA = 5.0
BETA = 0.5


def setup_inputs(seed: int = 0) -> dict:
    key = jax.random.key(seed)
    k1, k2, k3 = jax.random.split(key, 3)
    x = jax.random.normal(k1, (2, 2048, INPUT_DIM), dtype=jnp.float32)
    # nn.Linear(input_dim, hidden_dim): weight [H, I], bias [H]
    bound = 1.0 / np.sqrt(INPUT_DIM)
    W_in = jax.random.uniform(k2, (HIDDEN_DIM, INPUT_DIM), dtype=jnp.float32, minval=-bound, maxval=bound)
    b_in = jnp.zeros((HIDDEN_DIM,), dtype=jnp.float32)
    # nn.Parameter(torch.randn(H, O) * 0.1)
    out_weight = jax.random.normal(k3, (HIDDEN_DIM, OUTPUT_DIM), dtype=jnp.float32) * 0.1
    return {"x": x, "W_in": W_in, "b_in": b_in, "out_weight": out_weight}


def reference(x, W_in, b_in, out_weight):
    shape0 = x.shape[:-1]
    xf = x.reshape(-1, x.shape[-1])
    b = xf.shape[0]
    # z = in_weight(x)
    z = xf @ W_in.T + b_in
    # p = sigmoid(alpha * (z - beta))
    p_B_H = 1.0 / (1.0 + jnp.exp(-ALPHA * (z - BETA)))
    p_sum_B = jnp.sum(p_B_H, axis=1, keepdims=True)
    # torch.multinomial(p, S, replacement=True) == categorical sampling with
    # probabilities proportional to p (S independent draws per row)
    logits_B_H = jnp.log(p_B_H + 1e-30)
    skey = jax.random.key(42)
    idxs_B_S = jax.random.categorical(skey, logits_B_H[:, None, :], axis=-1, shape=(b, SPARSITY_DIM))
    corrections_B_1 = (p_sum_B / SPARSITY_DIM).reshape(-1, 1)
    # gather sampled rows of out_weight [H, O] -> [B, S, O], sum over S
    gathered_B_S_O = jnp.take(out_weight, idxs_B_S, axis=0)
    out_B_O = jnp.sum(gathered_B_S_O, axis=1)
    out_B_O = out_B_O * corrections_B_1
    out = out_B_O.reshape(*shape0, OUTPUT_DIM)
    return out

if __name__ == "__main__":
    import jax
    _d = setup_inputs()
    print(jax.jit(kernel)(*tuple(_d.values())))

</pallas_src>

<mosaic_0001>
#map = affine_map<(d0, d1) -> (0)>
#map1 = affine_map<(d0, d1) -> (0, 0)>
module attributes {stable_mosaic.version = 14 : i64} {
  func.func @sc_gather(%arg0: i32, %arg1: i32, %arg2: memref<4096xi32, #tpu.memory_space<hbm>>, %arg3: memref<4096xi32, #tpu.memory_space<hbm>>, %arg4: memref<4096x16xf32, #tpu.memory_space<hbm>>, %arg5: memref<8192x1024xf32, #tpu.memory_space<hbm>>, %arg6: memref<4096x1024xf32, #tpu.memory_space<hbm>>, %arg7: memref<32xi32, #tpu.memory_space<vmem>>, %arg8: memref<32xi32, #tpu.memory_space<vmem>>, %arg9: memref<32x1024xf32, #tpu.memory_space<vmem>>, %arg10: memref<32x1024xf32, #tpu.memory_space<vmem>>, %arg11: memref<32x16xf32, #tpu.memory_space<vmem>>, %arg12: memref<!tpu.dma_semaphore, #tpu.memory_space<semaphore_mem>>, %arg13: memref<!tpu.dma_semaphore, #tpu.memory_space<semaphore_mem>>) attributes {dimension_semantics = [#tpu.dimension_semantics<core_parallel>, #tpu.dimension_semantics<subcore_parallel>], iteration_bounds = array<i64: 2, 16>, scalar_prefetch = 0 : i64, scratch_operands = 7 : i64, tpu.core_type = #tpu.core_type<sc_vector_subcore>, window_params = [{transform_indices = #map}, {transform_indices = #map}, {transform_indices = #map1}, {transform_indices = #map1}, {transform_indices = #map1}]} {
    %mul3A = arith.constant 2 : i32
    %mul3A_0 = arith.muli %arg1, %mul3A : i32
    %add3A = arith.addi %mul3A_0, %arg0 : i32
    %mul3A_1 = arith.constant 128 : i32
    %mul3A_2 = arith.muli %add3A, %mul3A_1 : i32
    %add3A_3 = arith.constant 0 : i32
    %add3A_4 = arith.addi %mul3A_2, %add3A_3 : i32
    "tpu.region"() ({
      %run_scoped3A = tpu.sem_alloc : memref<!tpu.dma_semaphore, #tpu.memory_space<semaphore_mem>>
      %dma_start3A_80 = tpu.memref_slice %arg2[%add3A_4] : memref<4096xi32, #tpu.memory_space<hbm>> -> memref<32xi32, #tpu.memory_space<hbm>>
      %dma_start3A_81 = tpu.memref_slice %arg2[%add3A_4] : memref<4096xi32, #tpu.memory_space<hbm>> -> memref<32xi32, #tpu.memory_space<hbm>>
      tpu.enqueue_dma source(%dma_start3A_81 : memref<32xi32, #tpu.memory_space<hbm>>) target(%arg7 : memref<32xi32, #tpu.memory_space<vmem>>) target_semaphore(%run_scoped3A : memref<!tpu.dma_semaphore, #tpu.memory_space<semaphore_mem>>)
      %dma_wait3A_82 = tpu.memref_slice %arg2[%add3A_4] : memref<4096xi32, #tpu.memory_space<hbm>> -> memref<32xi32, #tpu.memory_space<hbm>>
      %dma_wait3A_83 = tpu.memref_slice %arg2[%add3A_4] : memref<4096xi32, #tpu.memory_space<hbm>> -> memref<32xi32, #tpu.memory_space<hbm>>
      tpu.wait_dma2 semaphore(%run_scoped3A : memref<!tpu.dma_semaphore, #tpu.memory_space<semaphore_mem>>) src(%dma_wait3A_83 : memref<32xi32, #tpu.memory_space<hbm>>) dst(%arg7 : memref<32xi32, #tpu.memory_space<vmem>>)
      tpu.yield
    }) : () -> ()
    "tpu.region"() ({
      %run_scoped3A = tpu.sem_alloc : memref<!tpu.dma_semaphore, #tpu.memory_space<semaphore_mem>>
      %dma_start3A_80 = tpu.memref_slice %arg3[%add3A_4] : memref<4096xi32, #tpu.memory_space<hbm>> -> memref<32xi32, #tpu.memory_space<hbm>>
      %dma_start3A_81 = tpu.memref_slice %arg3[%add3A_4] : memref<4096xi32, #tpu.memory_space<hbm>> -> memref<32xi32, #tpu.memory_space<hbm>>
      tpu.enqueue_dma source(%dma_start3A_81 : memref<32xi32, #tpu.memory_space<hbm>>) target(%arg8 : memref<32xi32, #tpu.memory_space<vmem>>) target_semaphore(%run_scoped3A : memref<!tpu.dma_semaphore, #tpu.memory_space<semaphore_mem>>)
      %dma_wait3A_82 = tpu.memref_slice %arg3[%add3A_4] : memref<4096xi32, #tpu.memory_space<hbm>> -> memref<32xi32, #tpu.memory_space<hbm>>
      %dma_wait3A_83 = tpu.memref_slice %arg3[%add3A_4] : memref<4096xi32, #tpu.memory_space<hbm>> -> memref<32xi32, #tpu.memory_space<hbm>>
      tpu.wait_dma2 semaphore(%run_scoped3A : memref<!tpu.dma_semaphore, #tpu.memory_space<semaphore_mem>>) src(%dma_wait3A_83 : memref<32xi32, #tpu.memory_space<hbm>>) dst(%arg8 : memref<32xi32, #tpu.memory_space<vmem>>)
      tpu.yield
    }) : () -> ()
    "tpu.region"() ({
      %run_scoped3A = tpu.sem_alloc : memref<!tpu.dma_semaphore, #tpu.memory_space<semaphore_mem>>
      %dma_start3A_80 = arith.constant 0 : i32
      %dma_start3A_81 = tpu.memref_slice %arg4[%add3A_4, %dma_start3A_80] : memref<4096x16xf32, #tpu.memory_space<hbm>> -> memref<32x16xf32, #tpu.memory_space<hbm>>
      %dma_start3A_82 = arith.constant 0 : i32
      %dma_start3A_83 = tpu.memref_slice %arg4[%add3A_4, %dma_start3A_82] : memref<4096x16xf32, #tpu.memory_space<hbm>> -> memref<32x16xf32, #tpu.memory_space<hbm>>
      tpu.enqueue_dma source(%dma_start3A_83 : memref<32x16xf32, #tpu.memory_space<hbm>>) target(%arg11 : memref<32x16xf32, #tpu.memory_space<vmem>>) target_semaphore(%run_scoped3A : memref<!tpu.dma_semaphore, #tpu.memory_space<semaphore_mem>>)
      %dma_wait3A_84 = arith.constant 0 : i32
      %dma_wait3A_85 = tpu.memref_slice %arg4[%add3A_4, %dma_wait3A_84] : memref<4096x16xf32, #tpu.memory_space<hbm>> -> memref<32x16xf32, #tpu.memory_space<hbm>>
      %dma_wait3A_86 = arith.constant 0 : i32
      %dma_wait3A_87 = tpu.memref_slice %arg4[%add3A_4, %dma_wait3A_86] : memref<4096x16xf32, #tpu.memory_space<hbm>> -> memref<32x16xf32, #tpu.memory_space<hbm>>
      tpu.wait_dma2 semaphore(%run_scoped3A : memref<!tpu.dma_semaphore, #tpu.memory_space<semaphore_mem>>) src(%dma_wait3A_87 : memref<32x16xf32, #tpu.memory_space<hbm>>) dst(%arg11 : memref<32x16xf32, #tpu.memory_space<vmem>>)
      tpu.yield
    }) : () -> ()
    %dma_start3A = arith.constant 0 : i32
    %dma_start3A_5 = arith.constant 0 : i32
    %dma_start3A_6 = tpu.memref_slice %arg5[%dma_start3A, %dma_start3A_5] : memref<8192x1024xf32, #tpu.memory_space<hbm>> -> memref<8192x1024xf32, #tpu.memory_space<hbm>>
    tpu.enqueue_indirect_dma source(%dma_start3A_6 : memref<8192x1024xf32, #tpu.memory_space<hbm>>) target(%arg9 : memref<32x1024xf32, #tpu.memory_space<vmem>>) offsets(%arg7 : memref<32xi32, #tpu.memory_space<vmem>>) semaphore(%arg12 : memref<!tpu.dma_semaphore, #tpu.memory_space<semaphore_mem>>)
    %dma_start3A_7 = arith.constant 0 : i32
    %dma_start3A_8 = arith.constant 0 : i32
    %dma_start3A_9 = tpu.memref_slice %arg5[%dma_start3A_7, %dma_start3A_8] : memref<8192x1024xf32, #tpu.memory_space<hbm>> -> memref<8192x1024xf32, #tpu.memory_space<hbm>>
    tpu.enqueue_indirect_dma source(%dma_start3A_9 : memref<8192x1024xf32, #tpu.memory_space<hbm>>) target(%arg10 : memref<32x1024xf32, #tpu.memory_space<vmem>>) offsets(%arg8 : memref<32xi32, #tpu.memory_space<vmem>>) semaphore(%arg13 : memref<!tpu.dma_semaphore, #tpu.memory_space<semaphore_mem>>)
    %dma_wait3A = arith.constant 0 : i32
    %dma_wait3A_10 = arith.constant 0 : i32
    %dma_wait3A_11 = tpu.memref_slice %arg5[%dma_wait3A, %dma_wait3A_10] : memref<8192x1024xf32, #tpu.memory_space<hbm>> -> memref<8192x1024xf32, #tpu.memory_space<hbm>>
    tpu.wait_indirect_dma semaphore(%arg12 : memref<!tpu.dma_semaphore, #tpu.memory_space<semaphore_mem>>) src(%dma_wait3A_11 : memref<8192x1024xf32, #tpu.memory_space<hbm>>) dst(%arg9 : memref<32x1024xf32, #tpu.memory_space<vmem>>)
    %dma_wait3A_12 = arith.constant 0 : i32
    %dma_wait3A_13 = arith.constant 0 : i32
    %dma_wait3A_14 = tpu.memref_slice %arg5[%dma_wait3A_12, %dma_wait3A_13] : memref<8192x1024xf32, #tpu.memory_space<hbm>> -> memref<8192x1024xf32, #tpu.memory_space<hbm>>
    tpu.wait_indirect_dma semaphore(%arg13 : memref<!tpu.dma_semaphore, #tpu.memory_space<semaphore_mem>>) src(%dma_wait3A_14 : memref<8192x1024xf32, #tpu.memory_space<hbm>>) dst(%arg10 : memref<32x1024xf32, #tpu.memory_space<vmem>>)
    %scan3A = arith.constant 0 : i32
    %scan3A_15 = arith.constant 0 : i32
    %scan3A_16 = arith.constant 32 : i32
    %scan3A_17 = arith.addi %scan3A_15, %scan3A_16 : i32
    %scan3A_18 = arith.constant 1 : i32
    scf.for %scan3A_80 = %scan3A_15 to %scan3A_17 step %scan3A_18  : i32 {
      %get3A = arith.index_cast %scan3A_80 : i32 to index
      %get3A_81 = arith.constant 0 : index
      %get3A_82 = tpu.vector_load %arg11[%get3A, %get3A_81] {strides = array<i32>} : memref<32x16xf32, #tpu.memory_space<vmem>>, vector<1x16xf32>,
      %get3A_83 = vector.shape_cast %get3A_82 : vector<1x16xf32> to vector<16xf32>
      %scan3A_84 = arith.constant 0 : i32
      %scan3A_85 = arith.constant 64 : i32
      %scan3A_86 = arith.addi %scan3A_84, %scan3A_85 : i32
      %scan3A_87 = arith.constant 1 : i32
      scf.for %scan3A_89 = %scan3A_84 to %scan3A_86 step %scan3A_87  : i32 {
        %mul3A_90 = arith.constant 16 : i32
        %mul3A_91 = arith.muli %scan3A_89, %mul3A_90 : i32
        %get3A_92 = arith.index_cast %scan3A_80 : i32 to index
        %get3A_93 = arith.index_cast %mul3A_91 : i32 to index
        %get3A_94 = tpu.vector_load %arg9[%get3A_92, %get3A_93] {strides = array<i32>} : memref<32x1024xf32, #tpu.memory_space<vmem>>, vector<1x16xf32>,
        %get3A_95 = vector.shape_cast %get3A_94 : vector<1x16xf32> to vector<16xf32>
        %get3A_96 = arith.index_cast %scan3A_80 : i32 to index
        %get3A_97 = arith.index_cast %mul3A_91 : i32 to index
        %get3A_98 = tpu.vector_load %arg10[%get3A_96, %get3A_97] {strides = array<i32>} : memref<32x1024xf32, #tpu.memory_space<vmem>>, vector<1x16xf32>,
        %get3A_99 = vector.shape_cast %get3A_98 : vector<1x16xf32> to vector<16xf32>
        %add3A_100 = arith.addf %get3A_95, %get3A_99 : vector<16xf32>
        %mul3A_101 = arith.mulf %add3A_100, %get3A_83 : vector<16xf32>
        %swap3A = arith.index_cast %scan3A_80 : i32 to index
        %swap3A_102 = arith.index_cast %mul3A_91 : i32 to index
        %swap3A_103 = tpu.vector_load %arg9[%swap3A, %swap3A_102] {strides = array<i32>} : memref<32x1024xf32, #tpu.memory_space<vmem>>, vector<1x16xf32>,
        %swap3A_104 = vector.shape_cast %swap3A_103 : vector<1x16xf32> to vector<16xf32>
        %swap3A_105 = vector.shape_cast %mul3A_101 : vector<16xf32> to vector<1x16xf32>
        tpu.vector_store %arg9[%swap3A, %swap3A_102], %swap3A_105 {strides = array<i32>} : memref<32x1024xf32, #tpu.memory_space<vmem>>, vector<1x16xf32>,
      }
      %scan3A_88 = arith.constant 64 : i32
    }
    %scan3A_19 = arith.constant 32 : i32
    "tpu.region"() ({
      %run_scoped3A = tpu.sem_alloc : memref<!tpu.dma_semaphore, #tpu.memory_space<semaphore_mem>>
      %dma_start3A_80 = arith.constant 0 : i32
      %dma_start3A_81 = tpu.memref_slice %arg6[%add3A_4, %dma_start3A_80] : memref<4096x1024xf32, #tpu.memory_space<hbm>> -> memref<32x1024xf32, #tpu.memory_space<hbm>>
      %dma_start3A_82 = arith.constant 0 : i32
      %dma_start3A_83 = tpu.memref_slice %arg6[%add3A_4, %dma_start3A_82] : memref<4096x1024xf32, #tpu.memory_space<hbm>> -> memref<32x1024xf32, #tpu.memory_space<hbm>>
      tpu.enqueue_dma source(%arg9 : memref<32x1024xf32, #tpu.memory_space<vmem>>) target(%dma_start3A_83 : memref<32x1024xf32, #tpu.memory_space<hbm>>) target_semaphore(%run_scoped3A : memref<!tpu.dma_semaphore, #tpu.memory_space<semaphore_mem>>)
      %dma_wait3A_84 = arith.constant 0 : i32
      %dma_wait3A_85 = tpu.memref_slice %arg6[%add3A_4, %dma_wait3A_84] : memref<4096x1024xf32, #tpu.memory_space<hbm>> -> memref<32x1024xf32, #tpu.memory_space<hbm>>
      %dma_wait3A_86 = arith.constant 0 : i32
      %dma_wait3A_87 = tpu.memref_slice %arg6[%add3A_4, %dma_wait3A_86] : memref<4096x1024xf32, #tpu.memory_space<hbm>> -> memref<32x1024xf32, #tpu.memory_space<hbm>>
      tpu.wait_dma2 semaphore(%run_scoped3A : memref<!tpu.dma_semaphore, #tpu.memory_space<semaphore_mem>>) src(%arg9 : memref<32x1024xf32, #tpu.memory_space<vmem>>) dst(%dma_wait3A_87 : memref<32x1024xf32, #tpu.memory_space<hbm>>)
      tpu.yield
    }) : () -> ()
    %add3A_20 = arith.constant 32 : i32
    %add3A_21 = arith.addi %mul3A_2, %add3A_20 : i32
    "tpu.region"() ({
      %run_scoped3A = tpu.sem_alloc : memref<!tpu.dma_semaphore, #tpu.memory_space<semaphore_mem>>
      %dma_start3A_80 = tpu.memref_slice %arg2[%add3A_21] : memref<4096xi32, #tpu.memory_space<hbm>> -> memref<32xi32, #tpu.memory_space<hbm>>
      %dma_start3A_81 = tpu.memref_slice %arg2[%add3A_21] : memref<4096xi32, #tpu.memory_space<hbm>> -> memref<32xi32, #tpu.memory_space<hbm>>
      tpu.enqueue_dma source(%dma_start3A_81 : memref<32xi32, #tpu.memory_space<hbm>>) target(%arg7 : memref<32xi32, #tpu.memory_space<vmem>>) target_semaphore(%run_scoped3A : memref<!tpu.dma_semaphore, #tpu.memory_space<semaphore_mem>>)
      %dma_wait3A_82 = tpu.memref_slice %arg2[%add3A_21] : memref<4096xi32, #tpu.memory_space<hbm>> -> memref<32xi32, #tpu.memory_space<hbm>>
      %dma_wait3A_83 = tpu.memref_slice %arg2[%add3A_21] : memref<4096xi32, #tpu.memory_space<hbm>> -> memref<32xi32, #tpu.memory_space<hbm>>
      tpu.wait_dma2 semaphore(%run_scoped3A : memref<!tpu.dma_semaphore, #tpu.memory_space<semaphore_mem>>) src(%dma_wait3A_83 : memref<32xi32, #tpu.memory_space<hbm>>) dst(%arg7 : memref<32xi32, #tpu.memory_space<vmem>>)
      tpu.yield
    }) : () -> ()
    "tpu.region"() ({
      %run_scoped3A = tpu.sem_alloc : memref<!tpu.dma_semaphore, #tpu.memory_space<semaphore_mem>>
      %dma_start3A_80 = tpu.memref_slice %arg3[%add3A_21] : memref<4096xi32, #tpu.memory_space<hbm>> -> memref<32xi32, #tpu.memory_space<hbm>>
      %dma_start3A_81 = tpu.memref_slice %arg3[%add3A_21] : memref<4096xi32, #tpu.memory_space<hbm>> -> memref<32xi32, #tpu.memory_space<hbm>>
      tpu.enqueue_dma source(%dma_start3A_81 : memref<32xi32, #tpu.memory_space<hbm>>) target(%arg8 : memref<32xi32, #tpu.memory_space<vmem>>) target_semaphore(%run_scoped3A : memref<!tpu.dma_semaphore, #tpu.memory_space<semaphore_mem>>)
      %dma_wait3A_82 = tpu.memref_slice %arg3[%add3A_21] : memref<4096xi32, #tpu.memory_space<hbm>> -> memref<32xi32, #tpu.memory_space<hbm>>
      %dma_wait3A_83 = tpu.memref_slice %arg3[%add3A_21] : memref<4096xi32, #tpu.memory_space<hbm>> -> memref<32xi32, #tpu.memory_space<hbm>>
      tpu.wait_dma2 semaphore(%run_scoped3A : memref<!tpu.dma_semaphore, #tpu.memory_space<semaphore_mem>>) src(%dma_wait3A_83 : memref<32xi32, #tpu.memory_space<hbm>>) dst(%arg8 : memref<32xi32, #tpu.memory_space<vmem>>)
      tpu.yield
    }) : () -> ()
    "tpu.region"() ({
      %run_scoped3A = tpu.sem_alloc : memref<!tpu.dma_semaphore, #tpu.memory_space<semaphore_mem>>
      %dma_start3A_80 = arith.constant 0 : i32
      %dma_start3A_81 = tpu.memref_slice %arg4[%add3A_21, %dma_start3A_80] : memref<4096x16xf32, #tpu.memory_space<hbm>> -> memref<32x16xf32, #tpu.memory_space<hbm>>
      %dma_start3A_82 = arith.constant 0 : i32
      %dma_start3A_83 = tpu.memref_slice %arg4[%add3A_21, %dma_start3A_82] : memref<4096x16xf32, #tpu.memory_space<hbm>> -> memref<32x16xf32, #tpu.memory_space<hbm>>
      tpu.enqueue_dma source(%dma_start3A_83 : memref<32x16xf32, #tpu.memory_space<hbm>>) target(%arg11 : memref<32x16xf32, #tpu.memory_space<vmem>>) target_semaphore(%run_scoped3A : memref<!tpu.dma_semaphore, #tpu.memory_space<semaphore_mem>>)
      %dma_wait3A_84 = arith.constant 0 : i32
      %dma_wait3A_85 = tpu.memref_slice %arg4[%add3A_21, %dma_wait3A_84] : memref<4096x16xf32, #tpu.memory_space<hbm>> -> memref<32x16xf32, #tpu.memory_space<hbm>>
      %dma_wait3A_86 = arith.constant 0 : i32
      %dma_wait3A_87 = tpu.memref_slice %arg4[%add3A_21, %dma_wait3A_86] : memref<4096x16xf32, #tpu.memory_space<hbm>> -> memref<32x16xf32, #tpu.memory_space<hbm>>
      tpu.wait_dma2 semaphore(%run_scoped3A : memref<!tpu.dma_semaphore, #tpu.memory_space<semaphore_mem>>) src(%dma_wait3A_87 : memref<32x16xf32, #tpu.memory_space<hbm>>) dst(%arg11 : memref<32x16xf32, #tpu.memory_space<vmem>>)
      tpu.yield
    }) : () -> ()
    %dma_start3A_22 = arith.constant 0 : i32
    %dma_start3A_23 = arith.constant 0 : i32
    %dma_start3A_24 = tpu.memref_slice %arg5[%dma_start3A_22, %dma_start3A_23] : memref<8192x1024xf32, #tpu.memory_space<hbm>> -> memref<8192x1024xf32, #tpu.memory_space<hbm>>
    tpu.enqueue_indirect_dma source(%dma_start3A_24 : memref<8192x1024xf32, #tpu.memory_space<hbm>>) target(%arg9 : memref<32x1024xf32, #tpu.memory_space<vmem>>) offsets(%arg7 : memref<32xi32, #tpu.memory_space<vmem>>) semaphore(%arg12 : memref<!tpu.dma_semaphore, #tpu.memory_space<semaphore_mem>>)
    %dma_start3A_25 = arith.constant 0 : i32
    %dma_start3A_26 = arith.constant 0 : i32
    %dma_start3A_27 = tpu.memref_slice %arg5[%dma_start3A_25, %dma_start3A_26] : memref<8192x1024xf32, #tpu.memory_space<hbm>> -> memref<8192x1024xf32, #tpu.memory_space<hbm>>
    tpu.enqueue_indirect_dma source(%dma_start3A_27 : memref<8192x1024xf32, #tpu.memory_space<hbm>>) target(%arg10 : memref<32x1024xf32, #tpu.memory_space<vmem>>) offsets(%arg8 : memref<32xi32, #tpu.memory_space<vmem>>) semaphore(%arg13 : memref<!tpu.dma_semaphore, #tpu.memory_space<semaphore_mem>>)
    %dma_wait3A_28 = arith.constant 0 : i32
    %dma_wait3A_29 = arith.constant 0 : i32
    %dma_wait3A_30 = tpu.memref_slice %arg5[%dma_wait3A_28, %dma_wait3A_29] : memref<8192x1024xf32, #tpu.memory_space<hbm>> -> memref<8192x1024xf32, #tpu.memory_space<hbm>>
    tpu.wait_indirect_dma semaphore(%arg12 : memref<!tpu.dma_semaphore, #tpu.memory_space<semaphore_mem>>) src(%dma_wait3A_30 : memref<8192x1024xf32, #tpu.memory_space<hbm>>) dst(%arg9 : memref<32x1024xf32, #tpu.memory_space<vmem>>)
    %dma_wait3A_31 = arith.constant 0 : i32
    %dma_wait3A_32 = arith.constant 0 : i32
    %dma_wait3A_33 = tpu.memref_slice %arg5[%dma_wait3A_31, %dma_wait3A_32] : memref<8192x1024xf32, #tpu.memory_space<hbm>> -> memref<8192x1024xf32, #tpu.memory_space<hbm>>
    tpu.wait_indirect_dma semaphore(%arg13 : memref<!tpu.dma_semaphore, #tpu.memory_space<semaphore_mem>>) src(%dma_wait3A_33 : memref<8192x1024xf32, #tpu.memory_space<hbm>>) dst(%arg10 : memref<32x1024xf32, #tpu.memory_space<vmem>>)
    %scan3A_34 = arith.constant 0 : i32
    %scan3A_35 = arith.constant 0 : i32
    %scan3A_36 = arith.constant 32 : i32
    %scan3A_37 = arith.addi %scan3A_35, %scan3A_36 : i32
    %scan3A_38 = arith.constant 1 : i32
    scf.for %scan3A_80 = %scan3A_35 to %scan3A_37 step %scan3A_38  : i32 {
      %get3A = arith.index_cast %scan3A_80 : i32 to index
      %get3A_81 = arith.constant 0 : index
      %get3A_82 = tpu.vector_load %arg11[%get3A, %get3A_81] {strides = array<i32>} : memref<32x16xf32, #tpu.memory_space<vmem>>, vector<1x16xf32>,
      %get3A_83 = vector.shape_cast %get3A_82 : vector<1x16xf32> to vector<16xf32>
      %scan3A_84 = arith.constant 0 : i32
      %scan3A_85 = arith.constant 64 : i32
      %scan3A_86 = arith.addi %scan3A_84, %scan3A_85 : i32
      %scan3A_87 = arith.constant 1 : i32
      scf.for %scan3A_89 = %scan3A_84 to %scan3A_86 step %scan3A_87  : i32 {
        %mul3A_90 = arith.constant 16 : i32
        %mul3A_91 = arith.muli %scan3A_89, %mul3A_90 : i32
        %get3A_92 = arith.index_cast %scan3A_80 : i32 to index
        %get3A_93 = arith.index_cast %mul3A_91 : i32 to index
        %get3A_94 = tpu.vector_load %arg9[%get3A_92, %get3A_93] {strides = array<i32>} : memref<32x1024xf32, #tpu.memory_space<vmem>>, vector<1x16xf32>,
        %get3A_95 = vector.shape_cast %get3A_94 : vector<1x16xf32> to vector<16xf32>
        %get3A_96 = arith.index_cast %scan3A_80 : i32 to index
        %get3A_97 = arith.index_cast %mul3A_91 : i32 to index
        %get3A_98 = tpu.vector_load %arg10[%get3A_96, %get3A_97] {strides = array<i32>} : memref<32x1024xf32, #tpu.memory_space<vmem>>, vector<1x16xf32>,
        %get3A_99 = vector.shape_cast %get3A_98 : vector<1x16xf32> to vector<16xf32>
        %add3A_100 = arith.addf %get3A_95, %get3A_99 : vector<16xf32>
        %mul3A_101 = arith.mulf %add3A_100, %get3A_83 : vector<16xf32>
        %swap3A = arith.index_cast %scan3A_80 : i32 to index
        %swap3A_102 = arith.index_cast %mul3A_91 : i32 to index
        %swap3A_103 = tpu.vector_load %arg9[%swap3A, %swap3A_102] {strides = array<i32>} : memref<32x1024xf32, #tpu.memory_space<vmem>>, vector<1x16xf32>,
        %swap3A_104 = vector.shape_cast %swap3A_103 : vector<1x16xf32> to vector<16xf32>
        %swap3A_105 = vector.shape_cast %mul3A_101 : vector<16xf32> to vector<1x16xf32>
        tpu.vector_store %arg9[%swap3A, %swap3A_102], %swap3A_105 {strides = array<i32>} : memref<32x1024xf32, #tpu.memory_space<vmem>>, vector<1x16xf32>,
      }
      %scan3A_88 = arith.constant 64 : i32
    }
    %scan3A_39 = arith.constant 32 : i32
    "tpu.region"() ({
      %run_scoped3A = tpu.sem_alloc : memref<!tpu.dma_semaphore, #tpu.memory_space<semaphore_mem>>
      %dma_start3A_80 = arith.constant 0 : i32
      %dma_start3A_81 = tpu.memref_slice %arg6[%add3A_21, %dma_start3A_80] : memref<4096x1024xf32, #tpu.memory_space<hbm>> -> memref<32x1024xf32, #tpu.memory_space<hbm>>
      %dma_start3A_82 = arith.constant 0 : i32
      %dma_start3A_83 = tpu.memref_slice %arg6[%add3A_21, %dma_start3A_82] : memref<4096x1024xf32, #tpu.memory_space<hbm>> -> memref<32x1024xf32, #tpu.memory_space<hbm>>
      tpu.enqueue_dma source(%arg9 : memref<32x1024xf32, #tpu.memory_space<vmem>>) target(%dma_start3A_83 : memref<32x1024xf32, #tpu.memory_space<hbm>>) target_semaphore(%run_scoped3A : memref<!tpu.dma_semaphore, #tpu.memory_space<semaphore_mem>>)
      %dma_wait3A_84 = arith.constant 0 : i32
      %dma_wait3A_85 = tpu.memref_slice %arg6[%add3A_21, %dma_wait3A_84] : memref<4096x1024xf32, #tpu.memory_space<hbm>> -> memref<32x1024xf32, #tpu.memory_space<hbm>>
      %dma_wait3A_86 = arith.constant 0 : i32
      %dma_wait3A_87 = tpu.memref_slice %arg6[%add3A_21, %dma_wait3A_86] : memref<4096x1024xf32, #tpu.memory_space<hbm>> -> memref<32x1024xf32, #tpu.memory_space<hbm>>
      tpu.wait_dma2 semaphore(%run_scoped3A : memref<!tpu.dma_semaphore, #tpu.memory_space<semaphore_mem>>) src(%arg9 : memref<32x1024xf32, #tpu.memory_space<vmem>>) dst(%dma_wait3A_87 : memref<32x1024xf32, #tpu.memory_space<hbm>>)
      tpu.yield
    }) : () -> ()
    %add3A_40 = arith.constant 64 : i32
    %add3A_41 = arith.addi %mul3A_2, %add3A_40 : i32
    "tpu.region"() ({
      %run_scoped3A = tpu.sem_alloc : memref<!tpu.dma_semaphore, #tpu.memory_space<semaphore_mem>>
      %dma_start3A_80 = tpu.memref_slice %arg2[%add3A_41] : memref<4096xi32, #tpu.memory_space<hbm>> -> memref<32xi32, #tpu.memory_space<hbm>>
      %dma_start3A_81 = tpu.memref_slice %arg2[%add3A_41] : memref<4096xi32, #tpu.memory_space<hbm>> -> memref<32xi32, #tpu.memory_space<hbm>>
      tpu.enqueue_dma source(%dma_start3A_81 : memref<32xi32, #tpu.memory_space<hbm>>) target(%arg7 : memref<32xi32, #tpu.memory_space<vmem>>) target_semaphore(%run_scoped3A : memref<!tpu.dma_semaphore, #tpu.memory_space<semaphore_mem>>)
      %dma_wait3A_82 = tpu.memref_slice %arg2[%add3A_41] : memref<4096xi32, #tpu.memory_space<hbm>> -> memref<32xi32, #tpu.memory_space<hbm>>
      %dma_wait3A_83 = tpu.memref_slice %arg2[%add3A_41] : memref<4096xi32, #tpu.memory_space<hbm>> -> memref<32xi32, #tpu.memory_space<hbm>>
      tpu.wait_dma2 semaphore(%run_scoped3A : memref<!tpu.dma_semaphore, #tpu.memory_space<semaphore_mem>>) src(%dma_wait3A_83 : memref<32xi32, #tpu.memory_space<hbm>>) dst(%arg7 : memref<32xi32, #tpu.memory_space<vmem>>)
      tpu.yield
    }) : () -> ()
    "tpu.region"() ({
      %run_scoped3A = tpu.sem_alloc : memref<!tpu.dma_semaphore, #tpu.memory_space<semaphore_mem>>
      %dma_start3A_80 = tpu.memref_slice %arg3[%add3A_41] : memref<4096xi32, #tpu.memory_space<hbm>> -> memref<32xi32, #tpu.memory_space<hbm>>
      %dma_start3A_81 = tpu.memref_slice %arg3[%add3A_41] : memref<4096xi32, #tpu.memory_space<hbm>> -> memref<32xi32, #tpu.memory_space<hbm>>
      tpu.enqueue_dma source(%dma_start3A_81 : memref<32xi32, #tpu.memory_space<hbm>>) target(%arg8 : memref<32xi32, #tpu.memory_space<vmem>>) target_semaphore(%run_scoped3A : memref<!tpu.dma_semaphore, #tpu.memory_space<semaphore_mem>>)
      %dma_wait3A_82 = tpu.memref_slice %arg3[%add3A_41] : memref<4096xi32, #tpu.memory_space<hbm>> -> memref<32xi32, #tpu.memory_space<hbm>>
      %dma_wait3A_83 = tpu.memref_slice %arg3[%add3A_41] : memref<4096xi32, #tpu.memory_space<hbm>> -> memref<32xi32, #tpu.memory_space<hbm>>
      tpu.wait_dma2 semaphore(%run_scoped3A : memref<!tpu.dma_semaphore, #tpu.memory_space<semaphore_mem>>) src(%dma_wait3A_83 : memref<32xi32, #tpu.memory_space<hbm>>) dst(%arg8 : memref<32xi32, #tpu.memory_space<vmem>>)
      tpu.yield
    }) : () -> ()
    "tpu.region"() ({
      %run_scoped3A = tpu.sem_alloc : memref<!tpu.dma_semaphore, #tpu.memory_space<semaphore_mem>>
      %dma_start3A_80 = arith.constant 0 : i32
      %dma_start3A_81 = tpu.memref_slice %arg4[%add3A_41, %dma_start3A_80] : memref<4096x16xf32, #tpu.memory_space<hbm>> -> memref<32x16xf32, #tpu.memory_space<hbm>>
      %dma_start3A_82 = arith.constant 0 : i32
      %dma_start3A_83 = tpu.memref_slice %arg4[%add3A_41, %dma_start3A_82] : memref<4096x16xf32, #tpu.memory_space<hbm>> -> memref<32x16xf32, #tpu.memory_space<hbm>>
      tpu.enqueue_dma source(%dma_start3A_83 : memref<32x16xf32, #tpu.memory_space<hbm>>) target(%arg11 : memref<32x16xf32, #tpu.memory_space<vmem>>) target_semaphore(%run_scoped3A : memref<!tpu.dma_semaphore, #tpu.memory_space<semaphore_mem>>)
      %dma_wait3A_84 = arith.constant 0 : i32
      %dma_wait3A_85 = tpu.memref_slice %arg4[%add3A_41, %dma_wait3A_84] : memref<4096x16xf32, #tpu.memory_space<hbm>> -> memref<32x16xf32, #tpu.memory_space<hbm>>
      %dma_wait3A_86 = arith.constant 0 : i32
      %dma_wait3A_87 = tpu.memref_slice %arg4[%add3A_41, %dma_wait3A_86] : memref<4096x16xf32, #tpu.memory_space<hbm>> -> memref<32x16xf32, #tpu.memory_space<hbm>>
      tpu.wait_dma2 semaphore(%run_scoped3A : memref<!tpu.dma_semaphore, #tpu.memory_space<semaphore_mem>>) src(%dma_wait3A_87 : memref<32x16xf32, #tpu.memory_space<hbm>>) dst(%arg11 : memref<32x16xf32, #tpu.memory_space<vmem>>)
      tpu.yield
    }) : () -> ()
    %dma_start3A_42 = arith.constant 0 : i32
    %dma_start3A_43 = arith.constant 0 : i32
    %dma_start3A_44 = tpu.memref_slice %arg5[%dma_start3A_42, %dma_start3A_43] : memref<8192x1024xf32, #tpu.memory_space<hbm>> -> memref<8192x1024xf32, #tpu.memory_space<hbm>>
    tpu.enqueue_indirect_dma source(%dma_start3A_44 : memref<8192x1024xf32, #tpu.memory_space<hbm>>) target(%arg9 : memref<32x1024xf32, #tpu.memory_space<vmem>>) offsets(%arg7 : memref<32xi32, #tpu.memory_space<vmem>>) semaphore(%arg12 : memref<!tpu.dma_semaphore, #tpu.memory_space<semaphore_mem>>)
    %dma_start3A_45 = arith.constant 0 : i32
    %dma_start3A_46 = arith.constant 0 : i32
    %dma_start3A_47 = tpu.memref_slice %arg5[%dma_start3A_45, %dma_start3A_46] : memref<8192x1024xf32, #tpu.memory_space<hbm>> -> memref<8192x1024xf32, #tpu.memory_space<hbm>>
    tpu.enqueue_indirect_dma source(%dma_start3A_47 : memref<8192x1024xf32, #tpu.memory_space<hbm>>) target(%arg10 : memref<32x1024xf32, #tpu.memory_space<vmem>>) offsets(%arg8 : memref<32xi32, #tpu.memory_space<vmem>>) semaphore(%arg13 : memref<!tpu.dma_semaphore, #tpu.memory_space<semaphore_mem>>)
    %dma_wait3A_48 = arith.constant 0 : i32
    %dma_wait3A_49 = arith.constant 0 : i32
    %dma_wait3A_50 = tpu.memref_slice %arg5[%dma_wait3A_48, %dma_wait3A_49] : memref<8192x1024xf32, #tpu.memory_space<hbm>> -> memref<8192x1024xf32, #tpu.memory_space<hbm>>
    tpu.wait_indirect_dma semaphore(%arg12 : memref<!tpu.dma_semaphore, #tpu.memory_space<semaphore_mem>>) src(%dma_wait3A_50 : memref<8192x1024xf32, #tpu.memory_space<hbm>>) dst(%arg9 : memref<32x1024xf32, #tpu.memory_space<vmem>>)
    %dma_wait3A_51 = arith.constant 0 : i32
    %dma_wait3A_52 = arith.constant 0 : i32
    %dma_wait3A_53 = tpu.memref_slice %arg5[%dma_wait3A_51, %dma_wait3A_52] : memref<8192x1024xf32, #tpu.memory_space<hbm>> -> memref<8192x1024xf32, #tpu.memory_space<hbm>>
    tpu.wait_indirect_dma semaphore(%arg13 : memref<!tpu.dma_semaphore, #tpu.memory_space<semaphore_mem>>) src(%dma_wait3A_53 : memref<8192x1024xf32, #tpu.memory_space<hbm>>) dst(%arg10 : memref<32x1024xf32, #tpu.memory_space<vmem>>)
    %scan3A_54 = arith.constant 0 : i32
    %scan3A_55 = arith.constant 0 : i32
    %scan3A_56 = arith.constant 32 : i32
    %scan3A_57 = arith.addi %scan3A_55, %scan3A_56 : i32
    %scan3A_58 = arith.constant 1 : i32
    scf.for %scan3A_80 = %scan3A_55 to %scan3A_57 step %scan3A_58  : i32 {
      %get3A = arith.index_cast %scan3A_80 : i32 to index
      %get3A_81 = arith.constant 0 : index
      %get3A_82 = tpu.vector_load %arg11[%get3A, %get3A_81] {strides = array<i32>} : memref<32x16xf32, #tpu.memory_space<vmem>>, vector<1x16xf32>,
      %get3A_83 = vector.shape_cast %get3A_82 : vector<1x16xf32> to vector<16xf32>
      %scan3A_84 = arith.constant 0 : i32
      %scan3A_85 = arith.constant 64 : i32
      %scan3A_86 = arith.addi %scan3A_84, %scan3A_85 : i32
      %scan3A_87 = arith.constant 1 : i32
      scf.for %scan3A_89 = %scan3A_84 to %scan3A_86 step %scan3A_87  : i32 {
        %mul3A_90 = arith.constant 16 : i32
        %mul3A_91 = arith.muli %scan3A_89, %mul3A_90 : i32
        %get3A_92 = arith.index_cast %scan3A_80 : i32 to index
        %get3A_93 = arith.index_cast %mul3A_91 : i32 to index
        %get3A_94 = tpu.vector_load %arg9[%get3A_92, %get3A_93] {strides = array<i32>} : memref<32x1024xf32, #tpu.memory_space<vmem>>, vector<1x16xf32>,
        %get3A_95 = vector.shape_cast %get3A_94 : vector<1x16xf32> to vector<16xf32>
        %get3A_96 = arith.index_cast %scan3A_80 : i32 to index
        %get3A_97 = arith.index_cast %mul3A_91 : i32 to index
        %get3A_98 = tpu.vector_load %arg10[%get3A_96, %get3A_97] {strides = array<i32>} : memref<32x1024xf32, #tpu.memory_space<vmem>>, vector<1x16xf32>,
        %get3A_99 = vector.shape_cast %get3A_98 : vector<1x16xf32> to vector<16xf32>
        %add3A_100 = arith.addf %get3A_95, %get3A_99 : vector<16xf32>
        %mul3A_101 = arith.mulf %add3A_100, %get3A_83 : vector<16xf32>
        %swap3A = arith.index_cast %scan3A_80 : i32 to index
        %swap3A_102 = arith.index_cast %mul3A_91 : i32 to index
        %swap3A_103 = tpu.vector_load %arg9[%swap3A, %swap3A_102] {strides = array<i32>} : memref<32x1024xf32, #tpu.memory_space<vmem>>, vector<1x16xf32>,
        %swap3A_104 = vector.shape_cast %swap3A_103 : vector<1x16xf32> to vector<16xf32>
        %swap3A_105 = vector.shape_cast %mul3A_101 : vector<16xf32> to vector<1x16xf32>
        tpu.vector_store %arg9[%swap3A, %swap3A_102], %swap3A_105 {strides = array<i32>} : memref<32x1024xf32, #tpu.memory_space<vmem>>, vector<1x16xf32>,
      }
      %scan3A_88 = arith.constant 64 : i32
    }
    %scan3A_59 = arith.constant 32 : i32
    "tpu.region"() ({
      %run_scoped3A = tpu.sem_alloc : memref<!tpu.dma_semaphore, #tpu.memory_space<semaphore_mem>>
      %dma_start3A_80 = arith.constant 0 : i32
      %dma_start3A_81 = tpu.memref_slice %arg6[%add3A_41, %dma_start3A_80] : memref<4096x1024xf32, #tpu.memory_space<hbm>> -> memref<32x1024xf32, #tpu.memory_space<hbm>>
      %dma_start3A_82 = arith.constant 0 : i32
      %dma_start3A_83 = tpu.memref_slice %arg6[%add3A_41, %dma_start3A_82] : memref<4096x1024xf32, #tpu.memory_space<hbm>> -> memref<32x1024xf32, #tpu.memory_space<hbm>>
      tpu.enqueue_dma source(%arg9 : memref<32x1024xf32, #tpu.memory_space<vmem>>) target(%dma_start3A_83 : memref<32x1024xf32, #tpu.memory_space<hbm>>) target_semaphore(%run_scoped3A : memref<!tpu.dma_semaphore, #tpu.memory_space<semaphore_mem>>)
      %dma_wait3A_84 = arith.constant 0 : i32
      %dma_wait3A_85 = tpu.memref_slice %arg6[%add3A_41, %dma_wait3A_84] : memref<4096x1024xf32, #tpu.memory_space<hbm>> -> memref<32x1024xf32, #tpu.memory_space<hbm>>
      %dma_wait3A_86 = arith.constant 0 : i32
      %dma_wait3A_87 = tpu.memref_slice %arg6[%add3A_41, %dma_wait3A_86] : memref<4096x1024xf32, #tpu.memory_space<hbm>> -> memref<32x1024xf32, #tpu.memory_space<hbm>>
      tpu.wait_dma2 semaphore(%run_scoped3A : memref<!tpu.dma_semaphore, #tpu.memory_space<semaphore_mem>>) src(%arg9 : memref<32x1024xf32, #tpu.memory_space<vmem>>) dst(%dma_wait3A_87 : memref<32x1024xf32, #tpu.memory_space<hbm>>)
      tpu.yield
    }) : () -> ()
    %add3A_60 = arith.constant 96 : i32
    %add3A_61 = arith.addi %mul3A_2, %add3A_60 : i32
    "tpu.region"() ({
      %run_scoped3A = tpu.sem_alloc : memref<!tpu.dma_semaphore, #tpu.memory_space<semaphore_mem>>
      %dma_start3A_80 = tpu.memref_slice %arg2[%add3A_61] : memref<4096xi32, #tpu.memory_space<hbm>> -> memref<32xi32, #tpu.memory_space<hbm>>
      %dma_start3A_81 = tpu.memref_slice %arg2[%add3A_61] : memref<4096xi32, #tpu.memory_space<hbm>> -> memref<32xi32, #tpu.memory_space<hbm>>
      tpu.enqueue_dma source(%dma_start3A_81 : memref<32xi32, #tpu.memory_space<hbm>>) target(%arg7 : memref<32xi32, #tpu.memory_space<vmem>>) target_semaphore(%run_scoped3A : memref<!tpu.dma_semaphore, #tpu.memory_space<semaphore_mem>>)
      %dma_wait3A_82 = tpu.memref_slice %arg2[%add3A_61] : memref<4096xi32, #tpu.memory_space<hbm>> -> memref<32xi32, #tpu.memory_space<hbm>>
      %dma_wait3A_83 = tpu.memref_slice %arg2[%add3A_61] : memref<4096xi32, #tpu.memory_space<hbm>> -> memref<32xi32, #tpu.memory_space<hbm>>
      tpu.wait_dma2 semaphore(%run_scoped3A : memref<!tpu.dma_semaphore, #tpu.memory_space<semaphore_mem>>) src(%dma_wait3A_83 : memref<32xi32, #tpu.memory_space<hbm>>) dst(%arg7 : memref<32xi32, #tpu.memory_space<vmem>>)
      tpu.yield
    }) : () -> ()
    "tpu.region"() ({
      %run_scoped3A = tpu.sem_alloc : memref<!tpu.dma_semaphore, #tpu.memory_space<semaphore_mem>>
      %dma_start3A_80 = tpu.memref_slice %arg3[%add3A_61] : memref<4096xi32, #tpu.memory_space<hbm>> -> memref<32xi32, #tpu.memory_space<hbm>>
      %dma_start3A_81 = tpu.memref_slice %arg3[%add3A_61] : memref<4096xi32, #tpu.memory_space<hbm>> -> memref<32xi32, #tpu.memory_space<hbm>>
      tpu.enqueue_dma source(%dma_start3A_81 : memref<32xi32, #tpu.memory_space<hbm>>) target(%arg8 : memref<32xi32, #tpu.memory_space<vmem>>) target_semaphore(%run_scoped3A : memref<!tpu.dma_semaphore, #tpu.memory_space<semaphore_mem>>)
      %dma_wait3A_82 = tpu.memref_slice %arg3[%add3A_61] : memref<4096xi32, #tpu.memory_space<hbm>> -> memref<32xi32, #tpu.memory_space<hbm>>
      %dma_wait3A_83 = tpu.memref_slice %arg3[%add3A_61] : memref<4096xi32, #tpu.memory_space<hbm>> -> memref<32xi32, #tpu.memory_space<hbm>>
      tpu.wait_dma2 semaphore(%run_scoped3A : memref<!tpu.dma_semaphore, #tpu.memory_space<semaphore_mem>>) src(%dma_wait3A_83 : memref<32xi32, #tpu.memory_space<hbm>>) dst(%arg8 : memref<32xi32, #tpu.memory_space<vmem>>)
      tpu.yield
    }) : () -> ()
    "tpu.region"() ({
      %run_scoped3A = tpu.sem_alloc : memref<!tpu.dma_semaphore, #tpu.memory_space<semaphore_mem>>
      %dma_start3A_80 = arith.constant 0 : i32
      %dma_start3A_81 = tpu.memref_slice %arg4[%add3A_61, %dma_start3A_80] : memref<4096x16xf32, #tpu.memory_space<hbm>> -> memref<32x16xf32, #tpu.memory_space<hbm>>
      %dma_start3A_82 = arith.constant 0 : i32
      %dma_start3A_83 = tpu.memref_slice %arg4[%add3A_61, %dma_start3A_82] : memref<4096x16xf32, #tpu.memory_space<hbm>> -> memref<32x16xf32, #tpu.memory_space<hbm>>
      tpu.enqueue_dma source(%dma_start3A_83 : memref<32x16xf32, #tpu.memory_space<hbm>>) target(%arg11 : memref<32x16xf32, #tpu.memory_space<vmem>>) target_semaphore(%run_scoped3A : memref<!tpu.dma_semaphore, #tpu.memory_space<semaphore_mem>>)
      %dma_wait3A_84 = arith.constant 0 : i32
      %dma_wait3A_85 = tpu.memref_slice %arg4[%add3A_61, %dma_wait3A_84] : memref<4096x16xf32, #tpu.memory_space<hbm>> -> memref<32x16xf32, #tpu.memory_space<hbm>>
      %dma_wait3A_86 = arith.constant 0 : i32
      %dma_wait3A_87 = tpu.memref_slice %arg4[%add3A_61, %dma_wait3A_86] : memref<4096x16xf32, #tpu.memory_space<hbm>> -> memref<32x16xf32, #tpu.memory_space<hbm>>
      tpu.wait_dma2 semaphore(%run_scoped3A : memref<!tpu.dma_semaphore, #tpu.memory_space<semaphore_mem>>) src(%dma_wait3A_87 : memref<32x16xf32, #tpu.memory_space<hbm>>) dst(%arg11 : memref<32x16xf32, #tpu.memory_space<vmem>>)
      tpu.yield
    }) : () -> ()
    %dma_start3A_62 = arith.constant 0 : i32
    %dma_start3A_63 = arith.constant 0 : i32
    %dma_start3A_64 = tpu.memref_slice %arg5[%dma_start3A_62, %dma_start3A_63] : memref<8192x1024xf32, #tpu.memory_space<hbm>> -> memref<8192x1024xf32, #tpu.memory_space<hbm>>
    tpu.enqueue_indirect_dma source(%dma_start3A_64 : memref<8192x1024xf32, #tpu.memory_space<hbm>>) target(%arg9 : memref<32x1024xf32, #tpu.memory_space<vmem>>) offsets(%arg7 : memref<32xi32, #tpu.memory_space<vmem>>) semaphore(%arg12 : memref<!tpu.dma_semaphore, #tpu.memory_space<semaphore_mem>>)
    %dma_start3A_65 = arith.constant 0 : i32
    %dma_start3A_66 = arith.constant 0 : i32
    %dma_start3A_67 = tpu.memref_slice %arg5[%dma_start3A_65, %dma_start3A_66] : memref<8192x1024xf32, #tpu.memory_space<hbm>> -> memref<8192x1024xf32, #tpu.memory_space<hbm>>
    tpu.enqueue_indirect_dma source(%dma_start3A_67 : memref<8192x1024xf32, #tpu.memory_space<hbm>>) target(%arg10 : memref<32x1024xf32, #tpu.memory_space<vmem>>) offsets(%arg8 : memref<32xi32, #tpu.memory_space<vmem>>) semaphore(%arg13 : memref<!tpu.dma_semaphore, #tpu.memory_space<semaphore_mem>>)
    %dma_wait3A_68 = arith.constant 0 : i32
    %dma_wait3A_69 = arith.constant 0 : i32
    %dma_wait3A_70 = tpu.memref_slice %arg5[%dma_wait3A_68, %dma_wait3A_69] : memref<8192x1024xf32, #tpu.memory_space<hbm>> -> memref<8192x1024xf32, #tpu.memory_space<hbm>>
    tpu.wait_indirect_dma semaphore(%arg12 : memref<!tpu.dma_semaphore, #tpu.memory_space<semaphore_mem>>) src(%dma_wait3A_70 : memref<8192x1024xf32, #tpu.memory_space<hbm>>) dst(%arg9 : memref<32x1024xf32, #tpu.memory_space<vmem>>)
    %dma_wait3A_71 = arith.constant 0 : i32
    %dma_wait3A_72 = arith.constant 0 : i32
    %dma_wait3A_73 = tpu.memref_slice %arg5[%dma_wait3A_71, %dma_wait3A_72] : memref<8192x1024xf32, #tpu.memory_space<hbm>> -> memref<8192x1024xf32, #tpu.memory_space<hbm>>
    tpu.wait_indirect_dma semaphore(%arg13 : memref<!tpu.dma_semaphore, #tpu.memory_space<semaphore_mem>>) src(%dma_wait3A_73 : memref<8192x1024xf32, #tpu.memory_space<hbm>>) dst(%arg10 : memref<32x1024xf32, #tpu.memory_space<vmem>>)
    %scan3A_74 = arith.constant 0 : i32
    %scan3A_75 = arith.constant 0 : i32
    %scan3A_76 = arith.constant 32 : i32
    %scan3A_77 = arith.addi %scan3A_75, %scan3A_76 : i32
    %scan3A_78 = arith.constant 1 : i32
    scf.for %scan3A_80 = %scan3A_75 to %scan3A_77 step %scan3A_78  : i32 {
      %get3A = arith.index_cast %scan3A_80 : i32 to index
      %get3A_81 = arith.constant 0 : index
      %get3A_82 = tpu.vector_load %arg11[%get3A, %get3A_81] {strides = array<i32>} : memref<32x16xf32, #tpu.memory_space<vmem>>, vector<1x16xf32>,
      %get3A_83 = vector.shape_cast %get3A_82 : vector<1x16xf32> to vector<16xf32>
      %scan3A_84 = arith.constant 0 : i32
      %scan3A_85 = arith.constant 64 : i32
      %scan3A_86 = arith.addi %scan3A_84, %scan3A_85 : i32
      %scan3A_87 = arith.constant 1 : i32
      scf.for %scan3A_89 = %scan3A_84 to %scan3A_86 step %scan3A_87  : i32 {
        %mul3A_90 = arith.constant 16 : i32
        %mul3A_91 = arith.muli %scan3A_89, %mul3A_90 : i32
        %get3A_92 = arith.index_cast %scan3A_80 : i32 to index
        %get3A_93 = arith.index_cast %mul3A_91 : i32 to index
        %get3A_94 = tpu.vector_load %arg9[%get3A_92, %get3A_93] {strides = array<i32>} : memref<32x1024xf32, #tpu.memory_space<vmem>>, vector<1x16xf32>,
        %get3A_95 = vector.shape_cast %get3A_94 : vector<1x16xf32> to vector<16xf32>
        %get3A_96 = arith.index_cast %scan3A_80 : i32 to index
        %get3A_97 = arith.index_cast %mul3A_91 : i32 to index
        %get3A_98 = tpu.vector_load %arg10[%get3A_96, %get3A_97] {strides = array<i32>} : memref<32x1024xf32, #tpu.memory_space<vmem>>, vector<1x16xf32>,
        %get3A_99 = vector.shape_cast %get3A_98 : vector<1x16xf32> to vector<16xf32>
        %add3A_100 = arith.addf %get3A_95, %get3A_99 : vector<16xf32>
        %mul3A_101 = arith.mulf %add3A_100, %get3A_83 : vector<16xf32>
        %swap3A = arith.index_cast %scan3A_80 : i32 to index
        %swap3A_102 = arith.index_cast %mul3A_91 : i32 to index
        %swap3A_103 = tpu.vector_load %arg9[%swap3A, %swap3A_102] {strides = array<i32>} : memref<32x1024xf32, #tpu.memory_space<vmem>>, vector<1x16xf32>,
        %swap3A_104 = vector.shape_cast %swap3A_103 : vector<1x16xf32> to vector<16xf32>
        %swap3A_105 = vector.shape_cast %mul3A_101 : vector<16xf32> to vector<1x16xf32>
        tpu.vector_store %arg9[%swap3A, %swap3A_102], %swap3A_105 {strides = array<i32>} : memref<32x1024xf32, #tpu.memory_space<vmem>>, vector<1x16xf32>,
      }
      %scan3A_88 = arith.constant 64 : i32
    }
    %scan3A_79 = arith.constant 32 : i32
    "tpu.region"() ({
      %run_scoped3A = tpu.sem_alloc : memref<!tpu.dma_semaphore, #tpu.memory_space<semaphore_mem>>
      %dma_start3A_80 = arith.constant 0 : i32
      %dma_start3A_81 = tpu.memref_slice %arg6[%add3A_61, %dma_start3A_80] : memref<4096x1024xf32, #tpu.memory_space<hbm>> -> memref<32x1024xf32, #tpu.memory_space<hbm>>
      %dma_start3A_82 = arith.constant 0 : i32
      %dma_start3A_83 = tpu.memref_slice %arg6[%add3A_61, %dma_start3A_82] : memref<4096x1024xf32, #tpu.memory_space<hbm>> -> memref<32x1024xf32, #tpu.memory_space<hbm>>
      tpu.enqueue_dma source(%arg9 : memref<32x1024xf32, #tpu.memory_space<vmem>>) target(%dma_start3A_83 : memref<32x1024xf32, #tpu.memory_space<hbm>>) target_semaphore(%run_scoped3A : memref<!tpu.dma_semaphore, #tpu.memory_space<semaphore_mem>>)
      %dma_wait3A_84 = arith.constant 0 : i32
      %dma_wait3A_85 = tpu.memref_slice %arg6[%add3A_61, %dma_wait3A_84] : memref<4096x1024xf32, #tpu.memory_space<hbm>> -> memref<32x1024xf32, #tpu.memory_space<hbm>>
      %dma_wait3A_86 = arith.constant 0 : i32
      %dma_wait3A_87 = tpu.memref_slice %arg6[%add3A_61, %dma_wait3A_86] : memref<4096x1024xf32, #tpu.memory_space<hbm>> -> memref<32x1024xf32, #tpu.memory_space<hbm>>
      tpu.wait_dma2 semaphore(%run_scoped3A : memref<!tpu.dma_semaphore, #tpu.memory_space<semaphore_mem>>) src(%arg9 : memref<32x1024xf32, #tpu.memory_space<vmem>>) dst(%dma_wait3A_87 : memref<32x1024xf32, #tpu.memory_space<hbm>>)
      tpu.yield
    }) : () -> ()
    return
  }
}

module attributes {stable_mosaic.version = 14 : i64} {
  func.func @_table_body(%arg0: i32, %arg1: i32, %arg2: memref<1024x512xf32, #tpu.memory_space<vmem>>, %arg3: memref<1024x512xf32, #tpu.memory_space<vmem>>) attributes {dimension_semantics = [#tpu.dimension_semantics<arbitrary>, #tpu.dimension_semantics<arbitrary>], iteration_bounds = array<i64: 4, 16>, scalar_prefetch = 0 : i64, scratch_operands = 0 : i64, tpu.core_type = #tpu.core_type<tc>, window_params = [{transform_indices = @transform_0, window_bounds = array<i64: 1024, 512>}, {transform_indices = @transform_1, window_bounds = array<i64: 1024, 512>}]} {
    %iota3A = tpu.iota {dimensions = array<i32: 0>} : vector<1024x512xi32>
    %mul3A = arith.constant 1024 : i32
    %mul3A_0 = arith.muli %arg0, %mul3A : i32
    %add3A = vector.broadcast %mul3A_0 : i32 to vector<1024x512xi32>
    %add3A_1 = arith.addi %iota3A, %add3A : vector<1024x512xi32>
    %mul3A_2 = arith.constant 16384 : i32
    %mul3A_3 = vector.broadcast %mul3A_2 : i32 to vector<1024x512xi32>
    %mul3A_4 = arith.muli %add3A_1, %mul3A_3 : vector<1024x512xi32>
    %iota3A_5 = tpu.iota {dimensions = array<i32: 1>} : vector<1024x512xi32>
    %mul3A_6 = arith.constant 512 : i32
    %mul3A_7 = arith.muli %arg1, %mul3A_6 : i32
    %add3A_8 = vector.broadcast %mul3A_7 : i32 to vector<1024x512xi32>
    %add3A_9 = arith.addi %iota3A_5, %add3A_8 : vector<1024x512xi32>
    %add3A_10 = arith.addi %mul3A_4, %add3A_9 : vector<1024x512xi32>
    %broadcast_in_dim3A = arith.constant 0 : i32
    %broadcast_in_dim3A_11 = vector.broadcast %broadcast_in_dim3A : i32 to vector<1024x512xi32>
    %add3A_12 = arith.constant 42 : i32
    %add3A_13 = vector.broadcast %add3A_12 : i32 to vector<1024x512xi32>
    %add3A_14 = arith.addi %add3A_10, %add3A_13 : vector<1024x512xi32>
    %add3A_15 = arith.addi %broadcast_in_dim3A_11, %add3A_14 : vector<1024x512xi32>
    %shift_left3A = arith.constant 13 : i32
    %shift_left3A_16 = vector.broadcast %shift_left3A : i32 to vector<1024x512xi32>
    %shift_left3A_17 = arith.shli %add3A_14, %shift_left3A_16 : vector<1024x512xi32>
    %shift_right_logical3A = arith.constant 19 : i32
    %shift_right_logical3A_18 = vector.broadcast %shift_right_logical3A : i32 to vector<1024x512xi32>
    %shift_right_logical3A_19 = arith.shrui %add3A_14, %shift_right_logical3A_18 : vector<1024x512xi32>
    %or3A = arith.ori %shift_left3A_17, %shift_right_logical3A_19 : vector<1024x512xi32>
    %xor3A = arith.xori %or3A, %add3A_15 : vector<1024x512xi32>
    %add3A_20 = arith.addi %add3A_15, %xor3A : vector<1024x512xi32>
    %shift_left3A_21 = arith.constant 15 : i32
    %shift_left3A_22 = vector.broadcast %shift_left3A_21 : i32 to vector<1024x512xi32>
    %shift_left3A_23 = arith.shli %xor3A, %shift_left3A_22 : vector<1024x512xi32>
    %shift_right_logical3A_24 = arith.constant 17 : i32
    %shift_right_logical3A_25 = vector.broadcast %shift_right_logical3A_24 : i32 to vector<1024x512xi32>
    %shift_right_logical3A_26 = arith.shrui %xor3A, %shift_right_logical3A_25 : vector<1024x512xi32>
    %or3A_27 = arith.ori %shift_left3A_23, %shift_right_logical3A_26 : vector<1024x512xi32>
    %xor3A_28 = arith.xori %or3A_27, %add3A_20 : vector<1024x512xi32>
    %add3A_29 = arith.addi %add3A_20, %xor3A_28 : vector<1024x512xi32>
    %shift_left3A_30 = arith.constant 26 : i32
    %shift_left3A_31 = vector.broadcast %shift_left3A_30 : i32 to vector<1024x512xi32>
    %shift_left3A_32 = arith.shli %xor3A_28, %shift_left3A_31 : vector<1024x512xi32>
    %shift_right_logical3A_33 = arith.constant 6 : i32
    %shift_right_logical3A_34 = vector.broadcast %shift_right_logical3A_33 : i32 to vector<1024x512xi32>
    %shift_right_logical3A_35 = arith.shrui %xor3A_28, %shift_right_logical3A_34 : vector<1024x512xi32>
    %or3A_36 = arith.ori %shift_left3A_32, %shift_right_logical3A_35 : vector<1024x512xi32>
    %xor3A_37 = arith.xori %or3A_36, %add3A_29 : vector<1024x512xi32>
    %add3A_38 = arith.addi %add3A_29, %xor3A_37 : vector<1024x512xi32>
    %shift_left3A_39 = arith.constant 6 : i32
    %shift_left3A_40 = vector.broadcast %shift_left3A_39 : i32 to vector<1024x512xi32>
    %shift_left3A_41 = arith.shli %xor3A_37, %shift_left3A_40 : vector<1024x512xi32>
    %shift_right_logical3A_42 = arith.constant 26 : i32
    %shift_right_logical3A_43 = vector.broadcast %shift_right_logical3A_42 : i32 to vector<1024x512xi32>
    %shift_right_logical3A_44 = arith.shrui %xor3A_37, %shift_right_logical3A_43 : vector<1024x512xi32>
    %or3A_45 = arith.ori %shift_left3A_41, %shift_right_logical3A_44 : vector<1024x512xi32>
    %xor3A_46 = arith.xori %or3A_45, %add3A_38 : vector<1024x512xi32>
    %add3A_47 = arith.constant 42 : i32
    %add3A_48 = vector.broadcast %add3A_47 : i32 to vector<1024x512xi32>
    %add3A_49 = arith.addi %add3A_38, %add3A_48 : vector<1024x512xi32>
    %add3A_50 = arith.constant 466689009 : i32
    %add3A_51 = vector.broadcast %add3A_50 : i32 to vector<1024x512xi32>
    %add3A_52 = arith.addi %xor3A_46, %add3A_51 : vector<1024x512xi32>
    %add3A_53 = arith.addi %add3A_49, %add3A_52 : vector<1024x512xi32>
    %shift_left3A_54 = arith.constant 17 : i32
    %shift_left3A_55 = vector.broadcast %shift_left3A_54 : i32 to vector<1024x512xi32>
    %shift_left3A_56 = arith.shli %add3A_52, %shift_left3A_55 : vector<1024x512xi32>
    %shift_right_logical3A_57 = arith.constant 15 : i32
    %shift_right_logical3A_58 = vector.broadcast %shift_right_logical3A_57 : i32 to vector<1024x512xi32>
    %shift_right_logical3A_59 = arith.shrui %add3A_52, %shift_right_logical3A_58 : vector<1024x512xi32>
    %or3A_60 = arith.ori %shift_left3A_56, %shift_right_logical3A_59 : vector<1024x512xi32>
    %xor3A_61 = arith.xori %or3A_60, %add3A_53 : vector<1024x512xi32>
    %add3A_62 = arith.addi %add3A_53, %xor3A_61 : vector<1024x512xi32>
    %shift_left3A_63 = arith.constant 29 : i32
    %shift_left3A_64 = vector.broadcast %shift_left3A_63 : i32 to vector<1024x512xi32>
    %shift_left3A_65 = arith.shli %xor3A_61, %shift_left3A_64 : vector<1024x512xi32>
    %shift_right_logical3A_66 = arith.constant 3 : i32
    %shift_right_logical3A_67 = vector.broadcast %shift_right_logical3A_66 : i32 to vector<1024x512xi32>
    %shift_right_logical3A_68 = arith.shrui %xor3A_61, %shift_right_logical3A_67 : vector<1024x512xi32>
    %or3A_69 = arith.ori %shift_left3A_65, %shift_right_logical3A_68 : vector<1024x512xi32>
    %xor3A_70 = arith.xori %or3A_69, %add3A_62 : vector<1024x512xi32>
    %add3A_71 = arith.addi %add3A_62, %xor3A_70 : vector<1024x512xi32>
    %shift_left3A_72 = arith.constant 16 : i32
    %shift_left3A_73 = vector.broadcast %shift_left3A_72 : i32 to vector<1024x512xi32>
    %shift_left3A_74 = arith.shli %xor3A_70, %shift_left3A_73 : vector<1024x512xi32>
    %shift_right_logical3A_75 = arith.constant 16 : i32
    %shift_right_logical3A_76 = vector.broadcast %shift_right_logical3A_75 : i32 to vector<1024x512xi32>
    %shift_right_logical3A_77 = arith.shrui %xor3A_70, %shift_right_logical3A_76 : vector<1024x512xi32>
    %or3A_78 = arith.ori %shift_left3A_74, %shift_right_logical3A_77 : vector<1024x512xi32>
    %xor3A_79 = arith.xori %or3A_78, %add3A_71 : vector<1024x512xi32>
    %add3A_80 = arith.addi %add3A_71, %xor3A_79 : vector<1024x512xi32>
    %shift_left3A_81 = arith.constant 24 : i32
    %shift_left3A_82 = vector.broadcast %shift_left3A_81 : i32 to vector<1024x512xi32>
    %shift_left3A_83 = arith.shli %xor3A_79, %shift_left3A_82 : vector<1024x512xi32>
    %shift_right_logical3A_84 = arith.constant 8 : i32
    %shift_right_logical3A_85 = vector.broadcast %shift_right_logical3A_84 : i32 to vector<1024x512xi32>
    %shift_right_logical3A_86 = arith.shrui %xor3A_79, %shift_right_logical3A_85 : vector<1024x512xi32>
    %or3A_87 = arith.ori %shift_left3A_83, %shift_right_logical3A_86 : vector<1024x512xi32>
    %xor3A_88 = arith.xori %or3A_87, %add3A_80 : vector<1024x512xi32>
    %add3A_89 = arith.constant 466689008 : i32
    %add3A_90 = vector.broadcast %add3A_89 : i32 to vector<1024x512xi32>
    %add3A_91 = arith.addi %add3A_80, %add3A_90 : vector<1024x512xi32>
    %add3A_92 = arith.constant 2 : i32
    %add3A_93 = vector.broadcast %add3A_92 : i32 to vector<1024x512xi32>
    %add3A_94 = arith.addi %xor3A_88, %add3A_93 : vector<1024x512xi32>
    %add3A_95 = arith.addi %add3A_91, %add3A_94 : vector<1024x512xi32>
    %shift_left3A_96 = arith.constant 13 : i32
    %shift_left3A_97 = vector.broadcast %shift_left3A_96 : i32 to vector<1024x512xi32>
    %shift_left3A_98 = arith.shli %add3A_94, %shift_left3A_97 : vector<1024x512xi32>
    %shift_right_logical3A_99 = arith.constant 19 : i32
    %shift_right_logical3A_100 = vector.broadcast %shift_right_logical3A_99 : i32 to vector<1024x512xi32>
    %shift_right_logical3A_101 = arith.shrui %add3A_94, %shift_right_logical3A_100 : vector<1024x512xi32>
    %or3A_102 = arith.ori %shift_left3A_98, %shift_right_logical3A_101 : vector<1024x512xi32>
    %xor3A_103 = arith.xori %or3A_102, %add3A_95 : vector<1024x512xi32>
    %add3A_104 = arith.addi %add3A_95, %xor3A_103 : vector<1024x512xi32>
    %shift_left3A_105 = arith.constant 15 : i32
    %shift_left3A_106 = vector.broadcast %shift_left3A_105 : i32 to vector<1024x512xi32>
    %shift_left3A_107 = arith.shli %xor3A_103, %shift_left3A_106 : vector<1024x512xi32>
    %shift_right_logical3A_108 = arith.constant 17 : i32
    %shift_right_logical3A_109 = vector.broadcast %shift_right_logical3A_108 : i32 to vector<1024x512xi32>
    %shift_right_logical3A_110 = arith.shrui %xor3A_103, %shift_right_logical3A_109 : vector<1024x512xi32>
    %or3A_111 = arith.ori %shift_left3A_107, %shift_right_logical3A_110 : vector<1024x512xi32>
    %xor3A_112 = arith.xori %or3A_111, %add3A_104 : vector<1024x512xi32>
    %add3A_113 = arith.addi %add3A_104, %xor3A_112 : vector<1024x512xi32>
    %shift_left3A_114 = arith.constant 26 : i32
    %shift_left3A_115 = vector.broadcast %shift_left3A_114 : i32 to vector<1024x512xi32>
    %shift_left3A_116 = arith.shli %xor3A_112, %shift_left3A_115 : vector<1024x512xi32>
    %shift_right_logical3A_117 = arith.constant 6 : i32
    %shift_right_logical3A_118 = vector.broadcast %shift_right_logical3A_117 : i32 to vector<1024x512xi32>
    %shift_right_logical3A_119 = arith.shrui %xor3A_112, %shift_right_logical3A_118 : vector<1024x512xi32>
    %or3A_120 = arith.ori %shift_left3A_116, %shift_right_logical3A_119 : vector<1024x512xi32>
    %xor3A_121 = arith.xori %or3A_120, %add3A_113 : vector<1024x512xi32>
    %add3A_122 = arith.addi %add3A_113, %xor3A_121 : vector<1024x512xi32>
    %shift_left3A_123 = arith.constant 6 : i32
    %shift_left3A_124 = vector.broadcast %shift_left3A_123 : i32 to vector<1024x512xi32>
    %shift_left3A_125 = arith.shli %xor3A_121, %shift_left3A_124 : vector<1024x512xi32>
    %shift_right_logical3A_126 = arith.constant 26 : i32
    %shift_right_logical3A_127 = vector.broadcast %shift_right_logical3A_126 : i32 to vector<1024x512xi32>
    %shift_right_logical3A_128 = arith.shrui %xor3A_121, %shift_right_logical3A_127 : vector<1024x512xi32>
    %or3A_129 = arith.ori %shift_left3A_125, %shift_right_logical3A_128 : vector<1024x512xi32>
    %xor3A_130 = arith.xori %or3A_129, %add3A_122 : vector<1024x512xi32>
    %add3A_131 = arith.constant 0 : i32
    %add3A_132 = vector.broadcast %add3A_131 : i32 to vector<1024x512xi32>
    %add3A_133 = arith.addi %add3A_122, %add3A_132 : vector<1024x512xi32>
    %add3A_134 = arith.constant 45 : i32
    %add3A_135 = vector.broadcast %add3A_134 : i32 to vector<1024x512xi32>
    %add3A_136 = arith.addi %xor3A_130, %add3A_135 : vector<1024x512xi32>
    %add3A_137 = arith.addi %add3A_133, %add3A_136 : vector<1024x512xi32>
    %shift_left3A_138 = arith.constant 17 : i32
    %shift_left3A_139 = vector.broadcast %shift_left3A_138 : i32 to vector<1024x512xi32>
    %shift_left3A_140 = arith.shli %add3A_136, %shift_left3A_139 : vector<1024x512xi32>
    %shift_right_logical3A_141 = arith.constant 15 : i32
    %shift_right_logical3A_142 = vector.broadcast %shift_right_logical3A_141 : i32 to vector<1024x512xi32>
    %shift_right_logical3A_143 = arith.shrui %add3A_136, %shift_right_logical3A_142 : vector<1024x512xi32>
    %or3A_144 = arith.ori %shift_left3A_140, %shift_right_logical3A_143 : vector<1024x512xi32>
    %xor3A_145 = arith.xori %or3A_144, %add3A_137 : vector<1024x512xi32>
    %add3A_146 = arith.addi %add3A_137, %xor3A_145 : vector<1024x512xi32>
    %shift_left3A_147 = arith.constant 29 : i32
    %shift_left3A_148 = vector.broadcast %shift_left3A_147 : i32 to vector<1024x512xi32>
    %shift_left3A_149 = arith.shli %xor3A_145, %shift_left3A_148 : vector<1024x512xi32>
    %shift_right_logical3A_150 = arith.constant 3 : i32
    %shift_right_logical3A_151 = vector.broadcast %shift_right_logical3A_150 : i32 to vector<1024x512xi32>
    %shift_right_logical3A_152 = arith.shrui %xor3A_145, %shift_right_logical3A_151 : vector<1024x512xi32>
    %or3A_153 = arith.ori %shift_left3A_149, %shift_right_logical3A_152 : vector<1024x512xi32>
    %xor3A_154 = arith.xori %or3A_153, %add3A_146 : vector<1024x512xi32>
    %add3A_155 = arith.addi %add3A_146, %xor3A_154 : vector<1024x512xi32>
    %shift_left3A_156 = arith.constant 16 : i32
    %shift_left3A_157 = vector.broadcast %shift_left3A_156 : i32 to vector<1024x512xi32>
    %shift_left3A_158 = arith.shli %xor3A_154, %shift_left3A_157 : vector<1024x512xi32>
    %shift_right_logical3A_159 = arith.constant 16 : i32
    %shift_right_logical3A_160 = vector.broadcast %shift_right_logical3A_159 : i32 to vector<1024x512xi32>
    %shift_right_logical3A_161 = arith.shrui %xor3A_154, %shift_right_logical3A_160 : vector<1024x512xi32>
    %or3A_162 = arith.ori %shift_left3A_158, %shift_right_logical3A_161 : vector<1024x512xi32>
    %xor3A_163 = arith.xori %or3A_162, %add3A_155 : vector<1024x512xi32>
    %add3A_164 = arith.addi %add3A_155, %xor3A_163 : vector<1024x512xi32>
    %shift_left3A_165 = arith.constant 24 : i32
    %shift_left3A_166 = vector.broadcast %shift_left3A_165 : i32 to vector<1024x512xi32>
    %shift_left3A_167 = arith.shli %xor3A_163, %shift_left3A_166 : vector<1024x512xi32>
    %shift_right_logical3A_168 = arith.constant 8 : i32
    %shift_right_logical3A_169 = vector.broadcast %shift_right_logical3A_168 : i32 to vector<1024x512xi32>
    %shift_right_logical3A_170 = arith.shrui %xor3A_163, %shift_right_logical3A_169 : vector<1024x512xi32>
    %or3A_171 = arith.ori %shift_left3A_167, %shift_right_logical3A_170 : vector<1024x512xi32>
    %xor3A_172 = arith.xori %or3A_171, %add3A_164 : vector<1024x512xi32>
    %add3A_173 = arith.constant 42 : i32
    %add3A_174 = vector.broadcast %add3A_173 : i32 to vector<1024x512xi32>
    %add3A_175 = arith.addi %add3A_164, %add3A_174 : vector<1024x512xi32>
    %add3A_176 = arith.constant 466689012 : i32
    %add3A_177 = vector.broadcast %add3A_176 : i32 to vector<1024x512xi32>
    %add3A_178 = arith.addi %xor3A_172, %add3A_177 : vector<1024x512xi32>
    %add3A_179 = arith.addi %add3A_175, %add3A_178 : vector<1024x512xi32>
    %shift_left3A_180 = arith.constant 13 : i32
    %shift_left3A_181 = vector.broadcast %shift_left3A_180 : i32 to vector<1024x512xi32>
    %shift_left3A_182 = arith.shli %add3A_178, %shift_left3A_181 : vector<1024x512xi32>
    %shift_right_logical3A_183 = arith.constant 19 : i32
    %shift_right_logical3A_184 = vector.broadcast %shift_right_logical3A_183 : i32 to vector<1024x512xi32>
    %shift_right_logical3A_185 = arith.shrui %add3A_178, %shift_right_logical3A_184 : vector<1024x512xi32>
    %or3A_186 = arith.ori %shift_left3A_182, %shift_right_logical3A_185 : vector<1024x512xi32>
    %xor3A_187 = arith.xori %or3A_186, %add3A_179 : vector<1024x512xi32>
    %add3A_188 = arith.addi %add3A_179, %xor3A_187 : vector<1024x512xi32>
    %shift_left3A_189 = arith.constant 15 : i32
    %shift_left3A_190 = vector.broadcast %shift_left3A_189 : i32 to vector<1024x512xi32>
    %shift_left3A_191 = arith.shli %xor3A_187, %shift_left3A_190 : vector<1024x512xi32>
    %shift_right_logical3A_192 = arith.constant 17 : i32
    %shift_right_logical3A_193 = vector.broadcast %shift_right_logical3A_192 : i32 to vector<1024x512xi32>
    %shift_right_logical3A_194 = arith.shrui %xor3A_187, %shift_right_logical3A_193 : vector<1024x512xi32>
    %or3A_195 = arith.ori %shift_left3A_191, %shift_right_logical3A_194 : vector<1024x512xi32>
    %xor3A_196 = arith.xori %or3A_195, %add3A_188 : vector<1024x512xi32>
    %add3A_197 = arith.addi %add3A_188, %xor3A_196 : vector<1024x512xi32>
    %shift_left3A_198 = arith.constant 26 : i32
    %shift_left3A_199 = vector.broadcast %shift_left3A_198 : i32 to vector<1024x512xi32>
    %shift_left3A_200 = arith.shli %xor3A_196, %shift_left3A_199 : vector<1024x512xi32>
    %shift_right_logical3A_201 = arith.constant 6 : i32
    %shift_right_logical3A_202 = vector.broadcast %shift_right_logical3A_201 : i32 to vector<1024x512xi32>
    %shift_right_logical3A_203 = arith.shrui %xor3A_196, %shift_right_logical3A_202 : vector<1024x512xi32>
    %or3A_204 = arith.ori %shift_left3A_200, %shift_right_logical3A_203 : vector<1024x512xi32>
    %xor3A_205 = arith.xori %or3A_204, %add3A_197 : vector<1024x512xi32>
    %add3A_206 = arith.addi %add3A_197, %xor3A_205 : vector<1024x512xi32>
    %shift_left3A_207 = arith.constant 6 : i32
    %shift_left3A_208 = vector.broadcast %shift_left3A_207 : i32 to vector<1024x512xi32>
    %shift_left3A_209 = arith.shli %xor3A_205, %shift_left3A_208 : vector<1024x512xi32>
    %shift_right_logical3A_210 = arith.constant 26 : i32
    %shift_right_logical3A_211 = vector.broadcast %shift_right_logical3A_210 : i32 to vector<1024x512xi32>
    %shift_right_logical3A_212 = arith.shrui %xor3A_205, %shift_right_logical3A_211 : vector<1024x512xi32>
    %or3A_213 = arith.ori %shift_left3A_209, %shift_right_logical3A_212 : vector<1024x512xi32>
    %xor3A_214 = arith.xori %or3A_213, %add3A_206 : vector<1024x512xi32>
    %add3A_215 = arith.constant 466689008 : i32
    %add3A_216 = vector.broadcast %add3A_215 : i32 to vector<1024x512xi32>
    %add3A_217 = arith.addi %add3A_206, %add3A_216 : vector<1024x512xi32>
    %add3A_218 = arith.constant 5 : i32
    %add3A_219 = vector.broadcast %add3A_218 : i32 to vector<1024x512xi32>
    %add3A_220 = arith.addi %xor3A_214, %add3A_219 : vector<1024x512xi32>
    %xor3A_221 = arith.xori %add3A_217, %add3A_220 : vector<1024x512xi32>
    %shift_right_logical3A_222 = arith.constant 9 : i32
    %shift_right_logical3A_223 = vector.broadcast %shift_right_logical3A_222 : i32 to vector<1024x512xi32>
    %shift_right_logical3A_224 = arith.shrui %xor3A_221, %shift_right_logical3A_223 : vector<1024x512xi32>
    %or3A_225 = arith.constant 1065353216 : i32
    %or3A_226 = vector.broadcast %or3A_225 : i32 to vector<1024x512xi32>
    %or3A_227 = arith.ori %shift_right_logical3A_224, %or3A_226 : vector<1024x512xi32>
    %bitcast_convert_type3A = tpu.bitcast %or3A_227 : vector<1024x512xi32> -> vector<1024x512xf32>
    %sub3A = arith.constant 1.000000e+00 : f32
    %sub3A_228 = vector.broadcast %sub3A : f32 to vector<1024x512xf32>
    %sub3A_229 = arith.subf %bitcast_convert_type3A, %sub3A_228 : vector<1024x512xf32>
    %add3A_230 = arith.constant 1.17549435E-38 : f32
    %add3A_231 = vector.broadcast %add3A_230 : f32 to vector<1024x512xf32>
    %add3A_232 = arith.addf %sub3A_229, %add3A_231 : vector<1024x512xf32>
    %max3A = arith.constant 1.17549435E-38 : f32
    %max3A_233 = vector.broadcast %max3A : f32 to vector<1024x512xf32>
    %max3A_234 = arith.maximumf %max3A_233, %add3A_232 : vector<1024x512xf32>
    %log3A = math.log %max3A_234 : vector<1024x512xf32>
    %neg3A = arith.constant 0.000000e+00 : f32
    %neg3A_235 = vector.broadcast %neg3A : f32 to vector<1024x512xf32>
    %neg3A_236 = arith.subf %neg3A_235, %log3A : vector<1024x512xf32>
    %swap3A = arith.constant 0 : index
    %swap3A_237 = arith.constant 0 : index
    %swap3A_238 = vector.load %arg2[%swap3A, %swap3A_237] : memref<1024x512xf32, #tpu.memory_space<vmem>>, vector<1024x512xf32>
    tpu.vector_store %arg2[%swap3A, %swap3A_237], %neg3A_236 {strides = array<i32>} : memref<1024x512xf32, #tpu.memory_space<vmem>>, vector<1024x512xf32>,
    %add3A_239 = arith.addi %mul3A_4, %add3A_9 : vector<1024x512xi32>
    %add3A_240 = arith.constant 8192 : i32
    %add3A_241 = vector.broadcast %add3A_240 : i32 to vector<1024x512xi32>
    %add3A_242 = arith.addi %add3A_239, %add3A_241 : vector<1024x512xi32>
    %broadcast_in_dim3A_243 = arith.constant 0 : i32
    %broadcast_in_dim3A_244 = vector.broadcast %broadcast_in_dim3A_243 : i32 to vector<1024x512xi32>
    %add3A_245 = arith.constant 42 : i32
    %add3A_246 = vector.broadcast %add3A_245 : i32 to vector<1024x512xi32>
    %add3A_247 = arith.addi %add3A_242, %add3A_246 : vector<1024x512xi32>
    %add3A_248 = arith.addi %broadcast_in_dim3A_244, %add3A_247 : vector<1024x512xi32>
    %shift_left3A_249 = arith.constant 13 : i32
    %shift_left3A_250 = vector.broadcast %shift_left3A_249 : i32 to vector<1024x512xi32>
    %shift_left3A_251 = arith.shli %add3A_247, %shift_left3A_250 : vector<1024x512xi32>
    %shift_right_logical3A_252 = arith.constant 19 : i32
    %shift_right_logical3A_253 = vector.broadcast %shift_right_logical3A_252 : i32 to vector<1024x512xi32>
    %shift_right_logical3A_254 = arith.shrui %add3A_247, %shift_right_logical3A_253 : vector<1024x512xi32>
    %or3A_255 = arith.ori %shift_left3A_251, %shift_right_logical3A_254 : vector<1024x512xi32>
    %xor3A_256 = arith.xori %or3A_255, %add3A_248 : vector<1024x512xi32>
    %add3A_257 = arith.addi %add3A_248, %xor3A_256 : vector<1024x512xi32>
    %shift_left3A_258 = arith.constant 15 : i32
    %shift_left3A_259 = vector.broadcast %shift_left3A_258 : i32 to vector<1024x512xi32>
    %shift_left3A_260 = arith.shli %xor3A_256, %shift_left3A_259 : vector<1024x512xi32>
    %shift_right_logical3A_261 = arith.constant 17 : i32
    %shift_right_logical3A_262 = vector.broadcast %shift_right_logical3A_261 : i32 to vector<1024x512xi32>
    %shift_right_logical3A_263 = arith.shrui %xor3A_256, %shift_right_logical3A_262 : vector<1024x512xi32>
    %or3A_264 = arith.ori %shift_left3A_260, %shift_right_logical3A_263 : vector<1024x512xi32>
    %xor3A_265 = arith.xori %or3A_264, %add3A_257 : vector<1024x512xi32>
    %add3A_266 = arith.addi %add3A_257, %xor3A_265 : vector<1024x512xi32>
    %shift_left3A_267 = arith.constant 26 : i32
    %shift_left3A_268 = vector.broadcast %shift_left3A_267 : i32 to vector<1024x512xi32>
    %shift_left3A_269 = arith.shli %xor3A_265, %shift_left3A_268 : vector<1024x512xi32>
    %shift_right_logical3A_270 = arith.constant 6 : i32
    %shift_right_logical3A_271 = vector.broadcast %shift_right_logical3A_270 : i32 to vector<1024x512xi32>
    %shift_right_logical3A_272 = arith.shrui %xor3A_265, %shift_right_logical3A_271 : vector<1024x512xi32>
    %or3A_273 = arith.ori %shift_left3A_269, %shift_right_logical3A_272 : vector<1024x512xi32>
    %xor3A_274 = arith.xori %or3A_273, %add3A_266 : vector<1024x512xi32>
    %add3A_275 = arith.addi %add3A_266, %xor3A_274 : vector<1024x512xi32>
    %shift_left3A_276 = arith.constant 6 : i32
    %shift_left3A_277 = vector.broadcast %shift_left3A_276 : i32 to vector<1024x512xi32>
    %shift_left3A_278 = arith.shli %xor3A_274, %shift_left3A_277 : vector<1024x512xi32>
    %shift_right_logical3A_279 = arith.constant 26 : i32
    %shift_right_logical3A_280 = vector.broadcast %shift_right_logical3A_279 : i32 to vector<1024x512xi32>
    %shift_right_logical3A_281 = arith.shrui %xor3A_274, %shift_right_logical3A_280 : vector<1024x512xi32>
    %or3A_282 = arith.ori %shift_left3A_278, %shift_right_logical3A_281 : vector<1024x512xi32>
    %xor3A_283 = arith.xori %or3A_282, %add3A_275 : vector<1024x512xi32>
    %add3A_284 = arith.constant 42 : i32
    %add3A_285 = vector.broadcast %add3A_284 : i32 to vector<1024x512xi32>
    %add3A_286 = arith.addi %add3A_275, %add3A_285 : vector<1024x512xi32>
    %add3A_287 = arith.constant 466689009 : i32
    %add3A_288 = vector.broadcast %add3A_287 : i32 to vector<1024x512xi32>
    %add3A_289 = arith.addi %xor3A_283, %add3A_288 : vector<1024x512xi32>
    %add3A_290 = arith.addi %add3A_286, %add3A_289 : vector<1024x512xi32>
    %shift_left3A_291 = arith.constant 17 : i32
    %shift_left3A_292 = vector.broadcast %shift_left3A_291 : i32 to vector<1024x512xi32>
    %shift_left3A_293 = arith.shli %add3A_289, %shift_left3A_292 : vector<1024x512xi32>
    %shift_right_logical3A_294 = arith.constant 15 : i32
    %shift_right_logical3A_295 = vector.broadcast %shift_right_logical3A_294 : i32 to vector<1024x512xi32>
    %shift_right_logical3A_296 = arith.shrui %add3A_289, %shift_right_logical3A_295 : vector<1024x512xi32>
    %or3A_297 = arith.ori %shift_left3A_293, %shift_right_logical3A_296 : vector<1024x512xi32>
    %xor3A_298 = arith.xori %or3A_297, %add3A_290 : vector<1024x512xi32>
    %add3A_299 = arith.addi %add3A_290, %xor3A_298 : vector<1024x512xi32>
    %shift_left3A_300 = arith.constant 29 : i32
    %shift_left3A_301 = vector.broadcast %shift_left3A_300 : i32 to vector<1024x512xi32>
    %shift_left3A_302 = arith.shli %xor3A_298, %shift_left3A_301 : vector<1024x512xi32>
    %shift_right_logical3A_303 = arith.constant 3 : i32
    %shift_right_logical3A_304 = vector.broadcast %shift_right_logical3A_303 : i32 to vector<1024x512xi32>
    %shift_right_logical3A_305 = arith.shrui %xor3A_298, %shift_right_logical3A_304 : vector<1024x512xi32>
    %or3A_306 = arith.ori %shift_left3A_302, %shift_right_logical3A_305 : vector<1024x512xi32>
    %xor3A_307 = arith.xori %or3A_306, %add3A_299 : vector<1024x512xi32>
    %add3A_308 = arith.addi %add3A_299, %xor3A_307 : vector<1024x512xi32>
    %shift_left3A_309 = arith.constant 16 : i32
    %shift_left3A_310 = vector.broadcast %shift_left3A_309 : i32 to vector<1024x512xi32>
    %shift_left3A_311 = arith.shli %xor3A_307, %shift_left3A_310 : vector<1024x512xi32>
    %shift_right_logical3A_312 = arith.constant 16 : i32
    %shift_right_logical3A_313 = vector.broadcast %shift_right_logical3A_312 : i32 to vector<1024x512xi32>
    %shift_right_logical3A_314 = arith.shrui %xor3A_307, %shift_right_logical3A_313 : vector<1024x512xi32>
    %or3A_315 = arith.ori %shift_left3A_311, %shift_right_logical3A_314 : vector<1024x512xi32>
    %xor3A_316 = arith.xori %or3A_315, %add3A_308 : vector<1024x512xi32>
    %add3A_317 = arith.addi %add3A_308, %xor3A_316 : vector<1024x512xi32>
    %shift_left3A_318 = arith.constant 24 : i32
    %shift_left3A_319 = vector.broadcast %shift_left3A_318 : i32 to vector<1024x512xi32>
    %shift_left3A_320 = arith.shli %xor3A_316, %shift_left3A_319 : vector<1024x512xi32>
    %shift_right_logical3A_321 = arith.constant 8 : i32
    %shift_right_logical3A_322 = vector.broadcast %shift_right_logical3A_321 : i32 to vector<1024x512xi32>
    %shift_right_logical3A_323 = arith.shrui %xor3A_316, %shift_right_logical3A_322 : vector<1024x512xi32>
    %or3A_324 = arith.ori %shift_left3A_320, %shift_right_logical3A_323 : vector<1024x512xi32>
    %xor3A_325 = arith.xori %or3A_324, %add3A_317 : vector<1024x512xi32>
    %add3A_326 = arith.constant 466689008 : i32
    %add3A_327 = vector.broadcast %add3A_326 : i32 to vector<1024x512xi32>
    %add3A_328 = arith.addi %add3A_317, %add3A_327 : vector<1024x512xi32>
    %add3A_329 = arith.constant 2 : i32
    %add3A_330 = vector.broadcast %add3A_329 : i32 to vector<1024x512xi32>
    %add3A_331 = arith.addi %xor3A_325, %add3A_330 : vector<1024x512xi32>
    %add3A_332 = arith.addi %add3A_328, %add3A_331 : vector<1024x512xi32>
    %shift_left3A_333 = arith.constant 13 : i32
    %shift_left3A_334 = vector.broadcast %shift_left3A_333 : i32 to vector<1024x512xi32>
    %shift_left3A_335 = arith.shli %add3A_331, %shift_left3A_334 : vector<1024x512xi32>
    %shift_right_logical3A_336 = arith.constant 19 : i32
    %shift_right_logical3A_337 = vector.broadcast %shift_right_logical3A_336 : i32 to vector<1024x512xi32>
    %shift_right_logical3A_338 = arith.shrui %add3A_331, %shift_right_logical3A_337 : vector<1024x512xi32>
    %or3A_339 = arith.ori %shift_left3A_335, %shift_right_logical3A_338 : vector<1024x512xi32>
    %xor3A_340 = arith.xori %or3A_339, %add3A_332 : vector<1024x512xi32>
    %add3A_341 = arith.addi %add3A_332, %xor3A_340 : vector<1024x512xi32>
    %shift_left3A_342 = arith.constant 15 : i32
    %shift_left3A_343 = vector.broadcast %shift_left3A_342 : i32 to vector<1024x512xi32>
    %shift_left3A_344 = arith.shli %xor3A_340, %shift_left3A_343 : vector<1024x512xi32>
    %shift_right_logical3A_345 = arith.constant 17 : i32
    %shift_right_logical3A_346 = vector.broadcast %shift_right_logical3A_345 : i32 to vector<1024x512xi32>
    %shift_right_logical3A_347 = arith.shrui %xor3A_340, %shift_right_logical3A_346 : vector<1024x512xi32>
    %or3A_348 = arith.ori %shift_left3A_344, %shift_right_logical3A_347 : vector<1024x512xi32>
    %xor3A_349 = arith.xori %or3A_348, %add3A_341 : vector<1024x512xi32>
    %add3A_350 = arith.addi %add3A_341, %xor3A_349 : vector<1024x512xi32>
    %shift_left3A_351 = arith.constant 26 : i32
    %shift_left3A_352 = vector.broadcast %shift_left3A_351 : i32 to vector<1024x512xi32>
    %shift_left3A_353 = arith.shli %xor3A_349, %shift_left3A_352 : vector<1024x512xi32>
    %shift_right_logical3A_354 = arith.constant 6 : i32
    %shift_right_logical3A_355 = vector.broadcast %shift_right_logical3A_354 : i32 to vector<1024x512xi32>
    %shift_right_logical3A_356 = arith.shrui %xor3A_349, %shift_right_logical3A_355 : vector<1024x512xi32>
    %or3A_357 = arith.ori %shift_left3A_353, %shift_right_logical3A_356 : vector<1024x512xi32>
    %xor3A_358 = arith.xori %or3A_357, %add3A_350 : vector<1024x512xi32>
    %add3A_359 = arith.addi %add3A_350, %xor3A_358 : vector<1024x512xi32>
    %shift_left3A_360 = arith.constant 6 : i32
    %shift_left3A_361 = vector.broadcast %shift_left3A_360 : i32 to vector<1024x512xi32>
    %shift_left3A_362 = arith.shli %xor3A_358, %shift_left3A_361 : vector<1024x512xi32>
    %shift_right_logical3A_363 = arith.constant 26 : i32
    %shift_right_logical3A_364 = vector.broadcast %shift_right_logical3A_363 : i32 to vector<1024x512xi32>
    %shift_right_logical3A_365 = arith.shrui %xor3A_358, %shift_right_logical3A_364 : vector<1024x512xi32>
    %or3A_366 = arith.ori %shift_left3A_362, %shift_right_logical3A_365 : vector<1024x512xi32>
    %xor3A_367 = arith.xori %or3A_366, %add3A_359 : vector<1024x512xi32>
    %add3A_368 = arith.constant 0 : i32
    %add3A_369 = vector.broadcast %add3A_368 : i32 to vector<1024x512xi32>
    %add3A_370 = arith.addi %add3A_359, %add3A_369 : vector<1024x512xi32>
    %add3A_371 = arith.constant 45 : i32
    %add3A_372 = vector.broadcast %add3A_371 : i32 to vector<1024x512xi32>
    %add3A_373 = arith.addi %xor3A_367, %add3A_372 : vector<1024x512xi32>
    %add3A_374 = arith.addi %add3A_370, %add3A_373 : vector<1024x512xi32>
    %shift_left3A_375 = arith.constant 17 : i32
    %shift_left3A_376 = vector.broadcast %shift_left3A_375 : i32 to vector<1024x512xi32>
    %shift_left3A_377 = arith.shli %add3A_373, %shift_left3A_376 : vector<1024x512xi32>
    %shift_right_logical3A_378 = arith.constant 15 : i32
    %shift_right_logical3A_379 = vector.broadcast %shift_right_logical3A_378 : i32 to vector<1024x512xi32>
    %shift_right_logical3A_380 = arith.shrui %add3A_373, %shift_right_logical3A_379 : vector<1024x512xi32>
    %or3A_381 = arith.ori %shift_left3A_377, %shift_right_logical3A_380 : vector<1024x512xi32>
    %xor3A_382 = arith.xori %or3A_381, %add3A_374 : vector<1024x512xi32>
    %add3A_383 = arith.addi %add3A_374, %xor3A_382 : vector<1024x512xi32>
    %shift_left3A_384 = arith.constant 29 : i32
    %shift_left3A_385 = vector.broadcast %shift_left3A_384 : i32 to vector<1024x512xi32>
    %shift_left3A_386 = arith.shli %xor3A_382, %shift_left3A_385 : vector<1024x512xi32>
    %shift_right_logical3A_387 = arith.constant 3 : i32
    %shift_right_logical3A_388 = vector.broadcast %shift_right_logical3A_387 : i32 to vector<1024x512xi32>
    %shift_right_logical3A_389 = arith.shrui %xor3A_382, %shift_right_logical3A_388 : vector<1024x512xi32>
    %or3A_390 = arith.ori %shift_left3A_386, %shift_right_logical3A_389 : vector<1024x512xi32>
    %xor3A_391 = arith.xori %or3A_390, %add3A_383 : vector<1024x512xi32>
    %add3A_392 = arith.addi %add3A_383, %xor3A_391 : vector<1024x512xi32>
    %shift_left3A_393 = arith.constant 16 : i32
    %shift_left3A_394 = vector.broadcast %shift_left3A_393 : i32 to vector<1024x512xi32>
    %shift_left3A_395 = arith.shli %xor3A_391, %shift_left3A_394 : vector<1024x512xi32>
    %shift_right_logical3A_396 = arith.constant 16 : i32
    %shift_right_logical3A_397 = vector.broadcast %shift_right_logical3A_396 : i32 to vector<1024x512xi32>
    %shift_right_logical3A_398 = arith.shrui %xor3A_391, %shift_right_logical3A_397 : vector<1024x512xi32>
    %or3A_399 = arith.ori %shift_left3A_395, %shift_right_logical3A_398 : vector<1024x512xi32>
    %xor3A_400 = arith.xori %or3A_399, %add3A_392 : vector<1024x512xi32>
    %add3A_401 = arith.addi %add3A_392, %xor3A_400 : vector<1024x512xi32>
    %shift_left3A_402 = arith.constant 24 : i32
    %shift_left3A_403 = vector.broadcast %shift_left3A_402 : i32 to vector<1024x512xi32>
    %shift_left3A_404 = arith.shli %xor3A_400, %shift_left3A_403 : vector<1024x512xi32>
    %shift_right_logical3A_405 = arith.constant 8 : i32
    %shift_right_logical3A_406 = vector.broadcast %shift_right_logical3A_405 : i32 to vector<1024x512xi32>
    %shift_right_logical3A_407 = arith.shrui %xor3A_400, %shift_right_logical3A_406 : vector<1024x512xi32>
    %or3A_408 = arith.ori %shift_left3A_404, %shift_right_logical3A_407 : vector<1024x512xi32>
    %xor3A_409 = arith.xori %or3A_408, %add3A_401 : vector<1024x512xi32>
    %add3A_410 = arith.constant 42 : i32
    %add3A_411 = vector.broadcast %add3A_410 : i32 to vector<1024x512xi32>
    %add3A_412 = arith.addi %add3A_401, %add3A_411 : vector<1024x512xi32>
    %add3A_413 = arith.constant 466689012 : i32
    %add3A_414 = vector.broadcast %add3A_413 : i32 to vector<1024x512xi32>
    %add3A_415 = arith.addi %xor3A_409, %add3A_414 : vector<1024x512xi32>
    %add3A_416 = arith.addi %add3A_412, %add3A_415 : vector<1024x512xi32>
    %shift_left3A_417 = arith.constant 13 : i32
    %shift_left3A_418 = vector.broadcast %shift_left3A_417 : i32 to vector<1024x512xi32>
    %shift_left3A_419 = arith.shli %add3A_415, %shift_left3A_418 : vector<1024x512xi32>
    %shift_right_logical3A_420 = arith.constant 19 : i32
    %shift_right_logical3A_421 = vector.broadcast %shift_right_logical3A_420 : i32 to vector<1024x512xi32>
    %shift_right_logical3A_422 = arith.shrui %add3A_415, %shift_right_logical3A_421 : vector<1024x512xi32>
    %or3A_423 = arith.ori %shift_left3A_419, %shift_right_logical3A_422 : vector<1024x512xi32>
    %xor3A_424 = arith.xori %or3A_423, %add3A_416 : vector<1024x512xi32>
    %add3A_425 = arith.addi %add3A_416, %xor3A_424 : vector<1024x512xi32>
    %shift_left3A_426 = arith.constant 15 : i32
    %shift_left3A_427 = vector.broadcast %shift_left3A_426 : i32 to vector<1024x512xi32>
    %shift_left3A_428 = arith.shli %xor3A_424, %shift_left3A_427 : vector<1024x512xi32>
    %shift_right_logical3A_429 = arith.constant 17 : i32
    %shift_right_logical3A_430 = vector.broadcast %shift_right_logical3A_429 : i32 to vector<1024x512xi32>
    %shift_right_logical3A_431 = arith.shrui %xor3A_424, %shift_right_logical3A_430 : vector<1024x512xi32>
    %or3A_432 = arith.ori %shift_left3A_428, %shift_right_logical3A_431 : vector<1024x512xi32>
    %xor3A_433 = arith.xori %or3A_432, %add3A_425 : vector<1024x512xi32>
    %add3A_434 = arith.addi %add3A_425, %xor3A_433 : vector<1024x512xi32>
    %shift_left3A_435 = arith.constant 26 : i32
    %shift_left3A_436 = vector.broadcast %shift_left3A_435 : i32 to vector<1024x512xi32>
    %shift_left3A_437 = arith.shli %xor3A_433, %shift_left3A_436 : vector<1024x512xi32>
    %shift_right_logical3A_438 = arith.constant 6 : i32
    %shift_right_logical3A_439 = vector.broadcast %shift_right_logical3A_438 : i32 to vector<1024x512xi32>
    %shift_right_logical3A_440 = arith.shrui %xor3A_433, %shift_right_logical3A_439 : vector<1024x512xi32>
    %or3A_441 = arith.ori %shift_left3A_437, %shift_right_logical3A_440 : vector<1024x512xi32>
    %xor3A_442 = arith.xori %or3A_441, %add3A_434 : vector<1024x512xi32>
    %add3A_443 = arith.addi %add3A_434, %xor3A_442 : vector<1024x512xi32>
    %shift_left3A_444 = arith.constant 6 : i32
    %shift_left3A_445 = vector.broadcast %shift_left3A_444 : i32 to vector<1024x512xi32>
    %shift_left3A_446 = arith.shli %xor3A_442, %shift_left3A_445 : vector<1024x512xi32>
    %shift_right_logical3A_447 = arith.constant 26 : i32
    %shift_right_logical3A_448 = vector.broadcast %shift_right_logical3A_447 : i32 to vector<1024x512xi32>
    %shift_right_logical3A_449 = arith.shrui %xor3A_442, %shift_right_logical3A_448 : vector<1024x512xi32>
    %or3A_450 = arith.ori %shift_left3A_446, %shift_right_logical3A_449 : vector<1024x512xi32>
    %xor3A_451 = arith.xori %or3A_450, %add3A_443 : vector<1024x512xi32>
    %add3A_452 = arith.constant 466689008 : i32
    %add3A_453 = vector.broadcast %add3A_452 : i32 to vector<1024x512xi32>
    %add3A_454 = arith.addi %add3A_443, %add3A_453 : vector<1024x512xi32>
    %add3A_455 = arith.constant 5 : i32
    %add3A_456 = vector.broadcast %add3A_455 : i32 to vector<1024x512xi32>
    %add3A_457 = arith.addi %xor3A_451, %add3A_456 : vector<1024x512xi32>
    %xor3A_458 = arith.xori %add3A_454, %add3A_457 : vector<1024x512xi32>
    %shift_right_logical3A_459 = arith.constant 9 : i32
    %shift_right_logical3A_460 = vector.broadcast %shift_right_logical3A_459 : i32 to vector<1024x512xi32>
    %shift_right_logical3A_461 = arith.shrui %xor3A_458, %shift_right_logical3A_460 : vector<1024x512xi32>
    %or3A_462 = arith.constant 1065353216 : i32
    %or3A_463 = vector.broadcast %or3A_462 : i32 to vector<1024x512xi32>
    %or3A_464 = arith.ori %shift_right_logical3A_461, %or3A_463 : vector<1024x512xi32>
    %bitcast_convert_type3A_465 = tpu.bitcast %or3A_464 : vector<1024x512xi32> -> vector<1024x512xf32>
    %sub3A_466 = arith.constant 1.000000e+00 : f32
    %sub3A_467 = vector.broadcast %sub3A_466 : f32 to vector<1024x512xf32>
    %sub3A_468 = arith.subf %bitcast_convert_type3A_465, %sub3A_467 : vector<1024x512xf32>
    %add3A_469 = arith.constant 1.17549435E-38 : f32
    %add3A_470 = vector.broadcast %add3A_469 : f32 to vector<1024x512xf32>
    %add3A_471 = arith.addf %sub3A_468, %add3A_470 : vector<1024x512xf32>
    %max3A_472 = arith.constant 1.17549435E-38 : f32
    %max3A_473 = vector.broadcast %max3A_472 : f32 to vector<1024x512xf32>
    %max3A_474 = arith.maximumf %max3A_473, %add3A_471 : vector<1024x512xf32>
    %log3A_475 = math.log %max3A_474 : vector<1024x512xf32>
    %neg3A_476 = arith.constant 0.000000e+00 : f32
    %neg3A_477 = vector.broadcast %neg3A_476 : f32 to vector<1024x512xf32>
    %neg3A_478 = arith.subf %neg3A_477, %log3A_475 : vector<1024x512xf32>
    %swap3A_479 = arith.constant 0 : index
    %swap3A_480 = arith.constant 0 : index
    %swap3A_481 = vector.load %arg3[%swap3A_479, %swap3A_480] : memref<1024x512xf32, #tpu.memory_space<vmem>>, vector<1024x512xf32>
    tpu.vector_store %arg3[%swap3A_479, %swap3A_480], %neg3A_478 {strides = array<i32>} : memref<1024x512xf32, #tpu.memory_space<vmem>>, vector<1024x512xf32>,
    return
  }
  func.func @transform_0(%arg0: i32, %arg1: i32) -> (i32, i32) {
    %c0_i32 = arith.constant 0 : i32
    return %arg0, %arg1 : i32, i32
  }
  func.func @transform_1(%arg0: i32, %arg1: i32) -> (i32, i32) {
    %c0_i32 = arith.constant 0 : i32
    return %arg0, %arg1 : i32, i32
  }
}

module attributes {stable_mosaic.version = 14 : i64} {
  func.func @_sample_body(%arg0: i32, %arg1: i32, %arg2: memref<1024x1024xf32, #tpu.memory_space<vmem>>, %arg3: memref<512x1024xf32, #tpu.memory_space<vmem>>, %arg4: memref<512xf32, #tpu.memory_space<vmem>>, %arg5: memref<1024x512xf32, #tpu.memory_space<vmem>>, %arg6: memref<1024x512xf32, #tpu.memory_space<vmem>>, %arg7: memref<1024xi32, #tpu.memory_space<vmem>>, %arg8: memref<1024xi32, #tpu.memory_space<vmem>>, %arg9: memref<1024x16xf32, #tpu.memory_space<vmem>>, %arg10: memref<1024x4xf32, #tpu.memory_space<vmem>>, %arg11: memref<1024x4xi32, #tpu.memory_space<vmem>>, %arg12: memref<1024x4xf32, #tpu.memory_space<vmem>>, %arg13: memref<1024x4xf32, #tpu.memory_space<vmem>>, %arg14: memref<1024x1xf32, #tpu.memory_space<vmem>>) attributes {dimension_semantics = [#tpu.dimension_semantics<arbitrary>, #tpu.dimension_semantics<arbitrary>], iteration_bounds = array<i64: 4, 16>, scalar_prefetch = 0 : i64, scratch_operands = 5 : i64, tpu.core_type = #tpu.core_type<tc>, window_params = [{transform_indices = @transform_0, window_bounds = array<i64: 1024, 1024>}, {transform_indices = @transform_1, window_bounds = array<i64: 512, 1024>}, {transform_indices = @transform_2, window_bounds = array<i64: 512>}, {transform_indices = @transform_3, window_bounds = array<i64: 1024, 512>}, {transform_indices = @transform_4, window_bounds = array<i64: 1024, 512>}, {transform_indices = @transform_5, window_bounds = array<i64: 1024>}, {transform_indices = @transform_6, window_bounds = array<i64: 1024>}, {transform_indices = @transform_7, window_bounds = array<i64: 1024, 16>}]} {
    %mul3A = arith.constant 512 : i32
    %mul3A_0 = arith.muli %arg1, %mul3A : i32
    %eq3A = arith.constant 0 : i32
    %eq3A_1 = arith.cmpi eq, %arg1, %eq3A : i32
    %convert_element_type3A = arith.extui %eq3A_1 : i1 to i32
    %cond3A = arith.constant 0 : i32
    %cond3A_2 = arith.cmpi ne, %convert_element_type3A, %cond3A : i32
    scf.if %cond3A_2 {
      %broadcast_in_dim3A_301 = arith.constant 0xFF800000 : f32
      %broadcast_in_dim3A_302 = vector.broadcast %broadcast_in_dim3A_301 : f32 to vector<1024x4xf32>
      %swap3A_303 = arith.constant 0 : index
      %swap3A_304 = arith.constant 0 : index
      %swap3A_305 = vector.load %arg10[%swap3A_303, %swap3A_304] : memref<1024x4xf32, #tpu.memory_space<vmem>>, vector<1024x4xf32>
      tpu.vector_store %arg10[%swap3A_303, %swap3A_304], %broadcast_in_dim3A_302 {strides = array<i32>} : memref<1024x4xf32, #tpu.memory_space<vmem>>, vector<1024x4xf32>,
      %broadcast_in_dim3A_306 = arith.constant 0 : i32
      %broadcast_in_dim3A_307 = vector.broadcast %broadcast_in_dim3A_306 : i32 to vector<1024x4xi32>
      %swap3A_308 = arith.constant 0 : index
      %swap3A_309 = arith.constant 0 : index
      %swap3A_310 = vector.load %arg11[%swap3A_308, %swap3A_309] : memref<1024x4xi32, #tpu.memory_space<vmem>>, vector<1024x4xi32>
      tpu.vector_store %arg11[%swap3A_308, %swap3A_309], %broadcast_in_dim3A_307 {strides = array<i32>} : memref<1024x4xi32, #tpu.memory_space<vmem>>, vector<1024x4xi32>,
      %broadcast_in_dim3A_311 = arith.constant 1.000000e+00 : f32
      %broadcast_in_dim3A_312 = vector.broadcast %broadcast_in_dim3A_311 : f32 to vector<1024x4xf32>
      %swap3A_313 = arith.constant 0 : index
      %swap3A_314 = arith.constant 0 : index
      %swap3A_315 = vector.load %arg12[%swap3A_313, %swap3A_314] : memref<1024x4xf32, #tpu.memory_space<vmem>>, vector<1024x4xf32>
      tpu.vector_store %arg12[%swap3A_313, %swap3A_314], %broadcast_in_dim3A_312 {strides = array<i32>} : memref<1024x4xf32, #tpu.memory_space<vmem>>, vector<1024x4xf32>,
      %broadcast_in_dim3A_316 = arith.constant 1.000000e+00 : f32
      %broadcast_in_dim3A_317 = vector.broadcast %broadcast_in_dim3A_316 : f32 to vector<1024x4xf32>
      %swap3A_318 = arith.constant 0 : index
      %swap3A_319 = arith.constant 0 : index
      %swap3A_320 = vector.load %arg13[%swap3A_318, %swap3A_319] : memref<1024x4xf32, #tpu.memory_space<vmem>>, vector<1024x4xf32>
      tpu.vector_store %arg13[%swap3A_318, %swap3A_319], %broadcast_in_dim3A_317 {strides = array<i32>} : memref<1024x4xf32, #tpu.memory_space<vmem>>, vector<1024x4xf32>,
      %broadcast_in_dim3A_321 = arith.constant 0.000000e+00 : f32
      %broadcast_in_dim3A_322 = vector.broadcast %broadcast_in_dim3A_321 : f32 to vector<1024x1xf32>
      %swap3A_323 = arith.constant 0 : index
      %swap3A_324 = arith.constant 0 : index
      %swap3A_325 = vector.load %arg14[%swap3A_323, %swap3A_324] : memref<1024x1xf32, #tpu.memory_space<vmem>>, vector<1024x1xf32>
      tpu.vector_store %arg14[%swap3A_323, %swap3A_324], %broadcast_in_dim3A_322 {strides = array<i32>} : memref<1024x1xf32, #tpu.memory_space<vmem>>, vector<1024x1xf32>,
    } else {
    }
    %get3A = arith.constant 0 : index
    %get3A_3 = arith.constant 0 : index
    %get3A_4 = vector.load %arg2[%get3A, %get3A_3] : memref<1024x1024xf32, #tpu.memory_space<vmem>>, vector<1024x1024xf32>
    %get3A_5 = arith.constant 0 : index
    %get3A_6 = arith.constant 0 : index
    %get3A_7 = vector.load %arg3[%get3A_5, %get3A_6] : memref<512x1024xf32, #tpu.memory_space<vmem>>, vector<512x1024xf32>
    %dot_general3A = arith.constant dense<0.000000e+00> : vector<1024x512xf32>
    %dot_general3A_8 = tpu.matmul %get3A_4, %get3A_7, %dot_general3A {dimension_numbers = #tpu.dot_dimension_numbers<[1], [1], [0], [0], [0, 0, 1, 0], [], []>, transpose_lhs_hint = false} : vector<1024x1024xf32>, vector<512x1024xf32>, vector<1024x512xf32> -> vector<1024x512xf32>
    %get3A_9 = arith.constant 0 : index
    %get3A_10 = vector.load %arg4[%get3A_9] : memref<512xf32, #tpu.memory_space<vmem>>, vector<512xf32>
    %broadcast_in_dim3A = vector.shape_cast %get3A_10 : vector<512xf32> to vector<1x512xf32>
    %add3A = vector.broadcast %broadcast_in_dim3A : vector<1x512xf32> to vector<1024x512xf32>
    %add3A_11 = arith.addf %dot_general3A_8, %add3A : vector<1024x512xf32>
    %sub3A = arith.constant 5.000000e-01 : f32
    %sub3A_12 = vector.broadcast %sub3A : f32 to vector<1024x512xf32>
    %sub3A_13 = arith.subf %add3A_11, %sub3A_12 : vector<1024x512xf32>
    %mul3A_14 = arith.constant -5.000000e+00 : f32
    %mul3A_15 = vector.broadcast %mul3A_14 : f32 to vector<1024x512xf32>
    %mul3A_16 = arith.mulf %mul3A_15, %sub3A_13 : vector<1024x512xf32>
    %exp3A = math.exp %mul3A_16 : vector<1024x512xf32>
    %add3A_17 = arith.constant 1.000000e+00 : f32
    %add3A_18 = vector.broadcast %add3A_17 : f32 to vector<1024x512xf32>
    %add3A_19 = arith.addf %add3A_18, %exp3A : vector<1024x512xf32>
    %div3A = arith.constant 1.000000e+00 : f32
    %div3A_20 = vector.broadcast %div3A : f32 to vector<1024x512xf32>
    %div3A_21 = arith.divf %div3A_20, %add3A_19 : vector<1024x512xf32>
    %get3A_22 = arith.constant 0 : index
    %get3A_23 = arith.constant 0 : index
    %get3A_24 = vector.load %arg14[%get3A_22, %get3A_23] : memref<1024x1xf32, #tpu.memory_space<vmem>>, vector<1024x1xf32>
    %reduce_sum3A = arith.constant dense<0.000000e+00> : vector<1024xf32>
    %reduce_sum3A_25 = vector.multi_reduction <add>, %div3A_21, %reduce_sum3A [1] : vector<1024x512xf32> to vector<1024xf32>
    %broadcast_in_dim3A_26 = vector.shape_cast %reduce_sum3A_25 : vector<1024xf32> to vector<1024x1xf32>
    %add3A_27 = arith.addf %get3A_24, %broadcast_in_dim3A_26 : vector<1024x1xf32>
    %swap3A = arith.constant 0 : index
    %swap3A_28 = arith.constant 0 : index
    %swap3A_29 = vector.load %arg14[%swap3A, %swap3A_28] : memref<1024x1xf32, #tpu.memory_space<vmem>>, vector<1024x1xf32>
    tpu.vector_store %arg14[%swap3A, %swap3A_28], %add3A_27 {strides = array<i32>} : memref<1024x1xf32, #tpu.memory_space<vmem>>, vector<1024x1xf32>,
    %add3A_30 = arith.constant 1.000000e-30 : f32
    %add3A_31 = vector.broadcast %add3A_30 : f32 to vector<1024x512xf32>
    %add3A_32 = arith.addf %div3A_21, %add3A_31 : vector<1024x512xf32>
    %iota3A = tpu.iota {dimensions = array<i32: 1>} : vector<1024x512xi32>
    %convert_element_type3A_33 = arith.sitofp %iota3A : vector<1024x512xi32> to vector<1024x512xf32>
    %get3A_34 = arith.constant 0 : index
    %get3A_35 = arith.constant 0 : index
    %get3A_36 = vector.load %arg5[%get3A_34, %get3A_35] : memref<1024x512xf32, #tpu.memory_space<vmem>>, vector<1024x512xf32>
    %div3A_37 = arith.divf %add3A_32, %get3A_36 : vector<1024x512xf32>
    %reduce_max3A = arith.constant dense<0xFF800000> : vector<1024xf32>
    %reduce_max3A_38 = vector.multi_reduction <maximumf>, %div3A_37, %reduce_max3A [1] : vector<1024x512xf32> to vector<1024xf32>
    %broadcast_in_dim3A_39 = vector.shape_cast %reduce_max3A_38 : vector<1024xf32> to vector<1024x1xf32>
    %eq3A_40 = vector.broadcast %broadcast_in_dim3A_39 : vector<1024x1xf32> to vector<1024x512xf32>
    %eq3A_41 = arith.cmpf oeq, %div3A_37, %eq3A_40 : vector<1024x512xf32>
    %jit3A = arith.constant 8.192000e+03 : f32
    %broadcast_in_dim3A_42 = vector.broadcast %jit3A : f32 to vector<1024x512xf32>
    %select_n3A = arith.select %eq3A_41, %convert_element_type3A_33, %broadcast_in_dim3A_42 : vector<1024x512xi1>, vector<1024x512xf32>
    %reduce_min3A = arith.constant dense<0x7F800000> : vector<1024xf32>
    %reduce_min3A_43 = vector.multi_reduction <minimumf>, %select_n3A, %reduce_min3A [1] : vector<1024x512xf32> to vector<1024xf32>
    %broadcast_in_dim3A_44 = vector.shape_cast %reduce_min3A_43 : vector<1024xf32> to vector<1024x1xf32>
    %eq3A_45 = vector.broadcast %broadcast_in_dim3A_44 : vector<1024x1xf32> to vector<1024x512xf32>
    %eq3A_46 = arith.cmpf oeq, %convert_element_type3A_33, %eq3A_45 : vector<1024x512xf32>
    %jit3A_47 = arith.constant 0.000000e+00 : f32
    %broadcast_in_dim3A_48 = vector.broadcast %jit3A_47 : f32 to vector<1024x512xf32>
    %select_n3A_49 = arith.select %eq3A_46, %add3A_32, %broadcast_in_dim3A_48 : vector<1024x512xi1>, vector<1024x512xf32>
    %reduce_sum3A_50 = arith.constant dense<0.000000e+00> : vector<1024xf32>
    %reduce_sum3A_51 = vector.multi_reduction <add>, %select_n3A_49, %reduce_sum3A_50 [1] : vector<1024x512xf32> to vector<1024xf32>
    %broadcast_in_dim3A_52 = vector.shape_cast %reduce_sum3A_51 : vector<1024xf32> to vector<1024x1xf32>
    %jit3A_53 = arith.constant 0.000000e+00 : f32
    %broadcast_in_dim3A_54 = vector.broadcast %jit3A_53 : f32 to vector<1024x512xf32>
    %select_n3A_55 = arith.select %eq3A_46, %get3A_36, %broadcast_in_dim3A_54 : vector<1024x512xi1>, vector<1024x512xf32>
    %reduce_sum3A_56 = arith.constant dense<0.000000e+00> : vector<1024xf32>
    %reduce_sum3A_57 = vector.multi_reduction <add>, %select_n3A_55, %reduce_sum3A_56 [1] : vector<1024x512xf32> to vector<1024xf32>
    %broadcast_in_dim3A_58 = vector.shape_cast %reduce_sum3A_57 : vector<1024xf32> to vector<1024x1xf32>
    %jit3A_59 = arith.constant 0xFF800000 : f32
    %broadcast_in_dim3A_60 = vector.broadcast %jit3A_59 : f32 to vector<1024x512xf32>
    %select_n3A_61 = arith.select %eq3A_46, %broadcast_in_dim3A_60, %div3A_37 : vector<1024x512xi1>, vector<1024x512xf32>
    %reduce_max3A_62 = arith.constant dense<0xFF800000> : vector<1024xf32>
    %reduce_max3A_63 = vector.multi_reduction <maximumf>, %select_n3A_61, %reduce_max3A_62 [1] : vector<1024x512xf32> to vector<1024xf32>
    %broadcast_in_dim3A_64 = vector.shape_cast %reduce_max3A_63 : vector<1024xf32> to vector<1024x1xf32>
    %eq3A_65 = vector.broadcast %broadcast_in_dim3A_64 : vector<1024x1xf32> to vector<1024x512xf32>
    %eq3A_66 = arith.cmpf oeq, %select_n3A_61, %eq3A_65 : vector<1024x512xf32>
    %jit3A_67 = arith.constant 8.192000e+03 : f32
    %broadcast_in_dim3A_68 = vector.broadcast %jit3A_67 : f32 to vector<1024x512xf32>
    %select_n3A_69 = arith.select %eq3A_66, %convert_element_type3A_33, %broadcast_in_dim3A_68 : vector<1024x512xi1>, vector<1024x512xf32>
    %reduce_min3A_70 = arith.constant dense<0x7F800000> : vector<1024xf32>
    %reduce_min3A_71 = vector.multi_reduction <minimumf>, %select_n3A_69, %reduce_min3A_70 [1] : vector<1024x512xf32> to vector<1024xf32>
    %broadcast_in_dim3A_72 = vector.shape_cast %reduce_min3A_71 : vector<1024xf32> to vector<1024x1xf32>
    %eq3A_73 = vector.broadcast %broadcast_in_dim3A_72 : vector<1024x1xf32> to vector<1024x512xf32>
    %eq3A_74 = arith.cmpf oeq, %convert_element_type3A_33, %eq3A_73 : vector<1024x512xf32>
    %jit3A_75 = arith.constant 0.000000e+00 : f32
    %broadcast_in_dim3A_76 = vector.broadcast %jit3A_75 : f32 to vector<1024x512xf32>
    %select_n3A_77 = arith.select %eq3A_74, %add3A_32, %broadcast_in_dim3A_76 : vector<1024x512xi1>, vector<1024x512xf32>
    %reduce_sum3A_78 = arith.constant dense<0.000000e+00> : vector<1024xf32>
    %reduce_sum3A_79 = vector.multi_reduction <add>, %select_n3A_77, %reduce_sum3A_78 [1] : vector<1024x512xf32> to vector<1024xf32>
    %broadcast_in_dim3A_80 = vector.shape_cast %reduce_sum3A_79 : vector<1024xf32> to vector<1024x1xf32>
    %jit3A_81 = arith.constant 0.000000e+00 : f32
    %broadcast_in_dim3A_82 = vector.broadcast %jit3A_81 : f32 to vector<1024x512xf32>
    %select_n3A_83 = arith.select %eq3A_74, %get3A_36, %broadcast_in_dim3A_82 : vector<1024x512xi1>, vector<1024x512xf32>
    %reduce_sum3A_84 = arith.constant dense<0.000000e+00> : vector<1024xf32>
    %reduce_sum3A_85 = vector.multi_reduction <add>, %select_n3A_83, %reduce_sum3A_84 [1] : vector<1024x512xf32> to vector<1024xf32>
    %broadcast_in_dim3A_86 = vector.shape_cast %reduce_sum3A_85 : vector<1024xf32> to vector<1024x1xf32>
    %get3A_87 = arith.constant 0 : index
    %get3A_88 = arith.constant 0 : index
    %get3A_89 = vector.load %arg10[%get3A_87, %get3A_88] : memref<1024x4xf32, #tpu.memory_space<vmem>>, vector<1024x1xf32>
    %get3A_90 = arith.constant 0 : index
    %get3A_91 = arith.constant 1 : index
    %get3A_92 = vector.load %arg10[%get3A_90, %get3A_91] : memref<1024x4xf32, #tpu.memory_space<vmem>>, vector<1024x1xf32>
    %convert_element_type3A_93 = arith.sitofp %mul3A_0 : i32 to f32
    %add3A_94 = vector.broadcast %convert_element_type3A_93 : f32 to vector<1024x1xf32>
    %add3A_95 = arith.addf %broadcast_in_dim3A_44, %add3A_94 : vector<1024x1xf32>
    %convert_element_type3A_96 = arith.sitofp %mul3A_0 : i32 to f32
    %add3A_97 = vector.broadcast %convert_element_type3A_96 : f32 to vector<1024x1xf32>
    %add3A_98 = arith.addf %broadcast_in_dim3A_72, %add3A_97 : vector<1024x1xf32>
    %gt3A = arith.cmpf ogt, %broadcast_in_dim3A_39, %get3A_89 : vector<1024x1xf32>
    %ge3A = arith.cmpf oge, %get3A_89, %broadcast_in_dim3A_64 : vector<1024x1xf32>
    %ge3A_99 = arith.cmpf oge, %get3A_92, %broadcast_in_dim3A_39 : vector<1024x1xf32>
    %get3A_100 = arith.constant 0 : index
    %get3A_101 = arith.constant 0 : index
    %get3A_102 = vector.load %arg12[%get3A_100, %get3A_101] : memref<1024x4xf32, #tpu.memory_space<vmem>>, vector<1024x1xf32>
    %get3A_103 = arith.constant 0 : index
    %get3A_104 = arith.constant 1 : index
    %get3A_105 = vector.load %arg12[%get3A_103, %get3A_104] : memref<1024x4xf32, #tpu.memory_space<vmem>>, vector<1024x1xf32>
    %get3A_106 = arith.constant 0 : index
    %get3A_107 = arith.constant 0 : index
    %get3A_108 = vector.load %arg13[%get3A_106, %get3A_107] : memref<1024x4xf32, #tpu.memory_space<vmem>>, vector<1024x1xf32>
    %get3A_109 = arith.constant 0 : index
    %get3A_110 = arith.constant 1 : index
    %get3A_111 = vector.load %arg13[%get3A_109, %get3A_110] : memref<1024x4xf32, #tpu.memory_space<vmem>>, vector<1024x1xf32>
    %get3A_112 = arith.constant 0 : index
    %get3A_113 = arith.constant 0 : index
    %get3A_114 = vector.load %arg11[%get3A_112, %get3A_113] : memref<1024x4xi32, #tpu.memory_space<vmem>>, vector<1024x1xi32>
    %convert_element_type3A_115 = arith.sitofp %get3A_114 : vector<1024x1xi32> to vector<1024x1xf32>
    %get3A_116 = arith.constant 0 : index
    %get3A_117 = arith.constant 1 : index
    %get3A_118 = vector.load %arg11[%get3A_116, %get3A_117] : memref<1024x4xi32, #tpu.memory_space<vmem>>, vector<1024x1xi32>
    %convert_element_type3A_119 = arith.sitofp %get3A_118 : vector<1024x1xi32> to vector<1024x1xf32>
    %select_n3A_120 = arith.select %gt3A, %broadcast_in_dim3A_39, %get3A_89 : vector<1024x1xi1>, vector<1024x1xf32>
    %select_n3A_121 = arith.select %ge3A, %get3A_89, %broadcast_in_dim3A_64 : vector<1024x1xi1>, vector<1024x1xf32>
    %select_n3A_122 = arith.select %ge3A_99, %get3A_92, %broadcast_in_dim3A_39 : vector<1024x1xi1>, vector<1024x1xf32>
    %select_n3A_123 = arith.select %gt3A, %select_n3A_121, %select_n3A_122 : vector<1024x1xi1>, vector<1024x1xf32>
    %swap3A_124 = arith.constant 0 : index
    %swap3A_125 = arith.constant 0 : index
    %swap3A_126 = vector.load %arg10[%swap3A_124, %swap3A_125] : memref<1024x4xf32, #tpu.memory_space<vmem>>, vector<1024x1xf32>
    tpu.vector_store %arg10[%swap3A_124, %swap3A_125], %select_n3A_120 {strides = array<i32>} : memref<1024x4xf32, #tpu.memory_space<vmem>>, vector<1024x1xf32>,
    %swap3A_127 = arith.constant 0 : index
    %swap3A_128 = arith.constant 1 : index
    %swap3A_129 = vector.load %arg10[%swap3A_127, %swap3A_128] : memref<1024x4xf32, #tpu.memory_space<vmem>>, vector<1024x1xf32>
    tpu.vector_store %arg10[%swap3A_127, %swap3A_128], %select_n3A_123 {strides = array<i32>} : memref<1024x4xf32, #tpu.memory_space<vmem>>, vector<1024x1xf32>,
    %select_n3A_130 = arith.select %gt3A, %broadcast_in_dim3A_52, %get3A_102 : vector<1024x1xi1>, vector<1024x1xf32>
    %select_n3A_131 = arith.select %ge3A, %get3A_102, %broadcast_in_dim3A_80 : vector<1024x1xi1>, vector<1024x1xf32>
    %select_n3A_132 = arith.select %ge3A_99, %get3A_105, %broadcast_in_dim3A_52 : vector<1024x1xi1>, vector<1024x1xf32>
    %select_n3A_133 = arith.select %gt3A, %select_n3A_131, %select_n3A_132 : vector<1024x1xi1>, vector<1024x1xf32>
    %swap3A_134 = arith.constant 0 : index
    %swap3A_135 = arith.constant 0 : index
    %swap3A_136 = vector.load %arg12[%swap3A_134, %swap3A_135] : memref<1024x4xf32, #tpu.memory_space<vmem>>, vector<1024x1xf32>
    tpu.vector_store %arg12[%swap3A_134, %swap3A_135], %select_n3A_130 {strides = array<i32>} : memref<1024x4xf32, #tpu.memory_space<vmem>>, vector<1024x1xf32>,
    %swap3A_137 = arith.constant 0 : index
    %swap3A_138 = arith.constant 1 : index
    %swap3A_139 = vector.load %arg12[%swap3A_137, %swap3A_138] : memref<1024x4xf32, #tpu.memory_space<vmem>>, vector<1024x1xf32>
    tpu.vector_store %arg12[%swap3A_137, %swap3A_138], %select_n3A_133 {strides = array<i32>} : memref<1024x4xf32, #tpu.memory_space<vmem>>, vector<1024x1xf32>,
    %select_n3A_140 = arith.select %gt3A, %broadcast_in_dim3A_58, %get3A_108 : vector<1024x1xi1>, vector<1024x1xf32>
    %select_n3A_141 = arith.select %ge3A, %get3A_108, %broadcast_in_dim3A_86 : vector<1024x1xi1>, vector<1024x1xf32>
    %select_n3A_142 = arith.select %ge3A_99, %get3A_111, %broadcast_in_dim3A_58 : vector<1024x1xi1>, vector<1024x1xf32>
    %select_n3A_143 = arith.select %gt3A, %select_n3A_141, %select_n3A_142 : vector<1024x1xi1>, vector<1024x1xf32>
    %swap3A_144 = arith.constant 0 : index
    %swap3A_145 = arith.constant 0 : index
    %swap3A_146 = vector.load %arg13[%swap3A_144, %swap3A_145] : memref<1024x4xf32, #tpu.memory_space<vmem>>, vector<1024x1xf32>
    tpu.vector_store %arg13[%swap3A_144, %swap3A_145], %select_n3A_140 {strides = array<i32>} : memref<1024x4xf32, #tpu.memory_space<vmem>>, vector<1024x1xf32>,
    %swap3A_147 = arith.constant 0 : index
    %swap3A_148 = arith.constant 1 : index
    %swap3A_149 = vector.load %arg13[%swap3A_147, %swap3A_148] : memref<1024x4xf32, #tpu.memory_space<vmem>>, vector<1024x1xf32>
    tpu.vector_store %arg13[%swap3A_147, %swap3A_148], %select_n3A_143 {strides = array<i32>} : memref<1024x4xf32, #tpu.memory_space<vmem>>, vector<1024x1xf32>,
    %select_n3A_150 = arith.select %gt3A, %add3A_95, %convert_element_type3A_115 : vector<1024x1xi1>, vector<1024x1xf32>
    %select_n3A_151 = arith.select %ge3A, %convert_element_type3A_115, %add3A_98 : vector<1024x1xi1>, vector<1024x1xf32>
    %select_n3A_152 = arith.select %ge3A_99, %convert_element_type3A_119, %add3A_95 : vector<1024x1xi1>, vector<1024x1xf32>
    %select_n3A_153 = arith.select %gt3A, %select_n3A_151, %select_n3A_152 : vector<1024x1xi1>, vector<1024x1xf32>
    %convert_element_type3A_154 = arith.fptosi %select_n3A_150 : vector<1024x1xf32> to vector<1024x1xi32>
    %swap3A_155 = arith.constant 0 : index
    %swap3A_156 = arith.constant 0 : index
    %swap3A_157 = vector.load %arg11[%swap3A_155, %swap3A_156] : memref<1024x4xi32, #tpu.memory_space<vmem>>, vector<1024x1xi32>
    tpu.vector_store %arg11[%swap3A_155, %swap3A_156], %convert_element_type3A_154 {strides = array<i32>} : memref<1024x4xi32, #tpu.memory_space<vmem>>, vector<1024x1xi32>,
    %convert_element_type3A_158 = arith.fptosi %select_n3A_153 : vector<1024x1xf32> to vector<1024x1xi32>
    %swap3A_159 = arith.constant 0 : index
    %swap3A_160 = arith.constant 1 : index
    %swap3A_161 = vector.load %arg11[%swap3A_159, %swap3A_160] : memref<1024x4xi32, #tpu.memory_space<vmem>>, vector<1024x1xi32>
    tpu.vector_store %arg11[%swap3A_159, %swap3A_160], %convert_element_type3A_158 {strides = array<i32>} : memref<1024x4xi32, #tpu.memory_space<vmem>>, vector<1024x1xi32>,
    %get3A_162 = arith.constant 0 : index
    %get3A_163 = arith.constant 0 : index
    %get3A_164 = vector.load %arg6[%get3A_162, %get3A_163] : memref<1024x512xf32, #tpu.memory_space<vmem>>, vector<1024x512xf32>
    %div3A_165 = arith.divf %add3A_32, %get3A_164 : vector<1024x512xf32>
    %reduce_max3A_166 = arith.constant dense<0xFF800000> : vector<1024xf32>
    %reduce_max3A_167 = vector.multi_reduction <maximumf>, %div3A_165, %reduce_max3A_166 [1] : vector<1024x512xf32> to vector<1024xf32>
    %broadcast_in_dim3A_168 = vector.shape_cast %reduce_max3A_167 : vector<1024xf32> to vector<1024x1xf32>
    %eq3A_169 = vector.broadcast %broadcast_in_dim3A_168 : vector<1024x1xf32> to vector<1024x512xf32>
    %eq3A_170 = arith.cmpf oeq, %div3A_165, %eq3A_169 : vector<1024x512xf32>
    %jit3A_171 = arith.constant 8.192000e+03 : f32
    %broadcast_in_dim3A_172 = vector.broadcast %jit3A_171 : f32 to vector<1024x512xf32>
    %select_n3A_173 = arith.select %eq3A_170, %convert_element_type3A_33, %broadcast_in_dim3A_172 : vector<1024x512xi1>, vector<1024x512xf32>
    %reduce_min3A_174 = arith.constant dense<0x7F800000> : vector<1024xf32>
    %reduce_min3A_175 = vector.multi_reduction <minimumf>, %select_n3A_173, %reduce_min3A_174 [1] : vector<1024x512xf32> to vector<1024xf32>
    %broadcast_in_dim3A_176 = vector.shape_cast %reduce_min3A_175 : vector<1024xf32> to vector<1024x1xf32>
    %eq3A_177 = vector.broadcast %broadcast_in_dim3A_176 : vector<1024x1xf32> to vector<1024x512xf32>
    %eq3A_178 = arith.cmpf oeq, %convert_element_type3A_33, %eq3A_177 : vector<1024x512xf32>
    %jit3A_179 = arith.constant 0.000000e+00 : f32
    %broadcast_in_dim3A_180 = vector.broadcast %jit3A_179 : f32 to vector<1024x512xf32>
    %select_n3A_181 = arith.select %eq3A_178, %add3A_32, %broadcast_in_dim3A_180 : vector<1024x512xi1>, vector<1024x512xf32>
    %reduce_sum3A_182 = arith.constant dense<0.000000e+00> : vector<1024xf32>
    %reduce_sum3A_183 = vector.multi_reduction <add>, %select_n3A_181, %reduce_sum3A_182 [1] : vector<1024x512xf32> to vector<1024xf32>
    %broadcast_in_dim3A_184 = vector.shape_cast %reduce_sum3A_183 : vector<1024xf32> to vector<1024x1xf32>
    %jit3A_185 = arith.constant 0.000000e+00 : f32
    %broadcast_in_dim3A_186 = vector.broadcast %jit3A_185 : f32 to vector<1024x512xf32>
    %select_n3A_187 = arith.select %eq3A_178, %get3A_164, %broadcast_in_dim3A_186 : vector<1024x512xi1>, vector<1024x512xf32>
    %reduce_sum3A_188 = arith.constant dense<0.000000e+00> : vector<1024xf32>
    %reduce_sum3A_189 = vector.multi_reduction <add>, %select_n3A_187, %reduce_sum3A_188 [1] : vector<1024x512xf32> to vector<1024xf32>
    %broadcast_in_dim3A_190 = vector.shape_cast %reduce_sum3A_189 : vector<1024xf32> to vector<1024x1xf32>
    %jit3A_191 = arith.constant 0xFF800000 : f32
    %broadcast_in_dim3A_192 = vector.broadcast %jit3A_191 : f32 to vector<1024x512xf32>
    %select_n3A_193 = arith.select %eq3A_178, %broadcast_in_dim3A_192, %div3A_165 : vector<1024x512xi1>, vector<1024x512xf32>
    %reduce_max3A_194 = arith.constant dense<0xFF800000> : vector<1024xf32>
    %reduce_max3A_195 = vector.multi_reduction <maximumf>, %select_n3A_193, %reduce_max3A_194 [1] : vector<1024x512xf32> to vector<1024xf32>
    %broadcast_in_dim3A_196 = vector.shape_cast %reduce_max3A_195 : vector<1024xf32> to vector<1024x1xf32>
    %eq3A_197 = vector.broadcast %broadcast_in_dim3A_196 : vector<1024x1xf32> to vector<1024x512xf32>
    %eq3A_198 = arith.cmpf oeq, %select_n3A_193, %eq3A_197 : vector<1024x512xf32>
    %jit3A_199 = arith.constant 8.192000e+03 : f32
    %broadcast_in_dim3A_200 = vector.broadcast %jit3A_199 : f32 to vector<1024x512xf32>
    %select_n3A_201 = arith.select %eq3A_198, %convert_element_type3A_33, %broadcast_in_dim3A_200 : vector<1024x512xi1>, vector<1024x512xf32>
    %reduce_min3A_202 = arith.constant dense<0x7F800000> : vector<1024xf32>
    %reduce_min3A_203 = vector.multi_reduction <minimumf>, %select_n3A_201, %reduce_min3A_202 [1] : vector<1024x512xf32> to vector<1024xf32>
    %broadcast_in_dim3A_204 = vector.shape_cast %reduce_min3A_203 : vector<1024xf32> to vector<1024x1xf32>
    %eq3A_205 = vector.broadcast %broadcast_in_dim3A_204 : vector<1024x1xf32> to vector<1024x512xf32>
    %eq3A_206 = arith.cmpf oeq, %convert_element_type3A_33, %eq3A_205 : vector<1024x512xf32>
    %jit3A_207 = arith.constant 0.000000e+00 : f32
    %broadcast_in_dim3A_208 = vector.broadcast %jit3A_207 : f32 to vector<1024x512xf32>
    %select_n3A_209 = arith.select %eq3A_206, %add3A_32, %broadcast_in_dim3A_208 : vector<1024x512xi1>, vector<1024x512xf32>
    %reduce_sum3A_210 = arith.constant dense<0.000000e+00> : vector<1024xf32>
    %reduce_sum3A_211 = vector.multi_reduction <add>, %select_n3A_209, %reduce_sum3A_210 [1] : vector<1024x512xf32> to vector<1024xf32>
    %broadcast_in_dim3A_212 = vector.shape_cast %reduce_sum3A_211 : vector<1024xf32> to vector<1024x1xf32>
    %jit3A_213 = arith.constant 0.000000e+00 : f32
    %broadcast_in_dim3A_214 = vector.broadcast %jit3A_213 : f32 to vector<1024x512xf32>
    %select_n3A_215 = arith.select %eq3A_206, %get3A_164, %broadcast_in_dim3A_214 : vector<1024x512xi1>, vector<1024x512xf32>
    %reduce_sum3A_216 = arith.constant dense<0.000000e+00> : vector<1024xf32>
    %reduce_sum3A_217 = vector.multi_reduction <add>, %select_n3A_215, %reduce_sum3A_216 [1] : vector<1024x512xf32> to vector<1024xf32>
    %broadcast_in_dim3A_218 = vector.shape_cast %reduce_sum3A_217 : vector<1024xf32> to vector<1024x1xf32>
    %get3A_219 = arith.constant 0 : index
    %get3A_220 = arith.constant 2 : index
    %get3A_221 = vector.load %arg10[%get3A_219, %get3A_220] : memref<1024x4xf32, #tpu.memory_space<vmem>>, vector<1024x1xf32>
    %get3A_222 = arith.constant 0 : index
    %get3A_223 = arith.constant 3 : index
    %get3A_224 = vector.load %arg10[%get3A_222, %get3A_223] : memref<1024x4xf32, #tpu.memory_space<vmem>>, vector<1024x1xf32>
    %convert_element_type3A_225 = arith.sitofp %mul3A_0 : i32 to f32
    %add3A_226 = vector.broadcast %convert_element_type3A_225 : f32 to vector<1024x1xf32>
    %add3A_227 = arith.addf %broadcast_in_dim3A_176, %add3A_226 : vector<1024x1xf32>
    %convert_element_type3A_228 = arith.sitofp %mul3A_0 : i32 to f32
    %add3A_229 = vector.broadcast %convert_element_type3A_228 : f32 to vector<1024x1xf32>
    %add3A_230 = arith.addf %broadcast_in_dim3A_204, %add3A_229 : vector<1024x1xf32>
    %gt3A_231 = arith.cmpf ogt, %broadcast_in_dim3A_168, %get3A_221 : vector<1024x1xf32>
    %ge3A_232 = arith.cmpf oge, %get3A_221, %broadcast_in_dim3A_196 : vector<1024x1xf32>
    %ge3A_233 = arith.cmpf oge, %get3A_224, %broadcast_in_dim3A_168 : vector<1024x1xf32>
    %get3A_234 = arith.constant 0 : index
    %get3A_235 = arith.constant 2 : index
    %get3A_236 = vector.load %arg12[%get3A_234, %get3A_235] : memref<1024x4xf32, #tpu.memory_space<vmem>>, vector<1024x1xf32>
    %get3A_237 = arith.constant 0 : index
    %get3A_238 = arith.constant 3 : index
    %get3A_239 = vector.load %arg12[%get3A_237, %get3A_238] : memref<1024x4xf32, #tpu.memory_space<vmem>>, vector<1024x1xf32>
    %get3A_240 = arith.constant 0 : index
    %get3A_241 = arith.constant 2 : index
    %get3A_242 = vector.load %arg13[%get3A_240, %get3A_241] : memref<1024x4xf32, #tpu.memory_space<vmem>>, vector<1024x1xf32>
    %get3A_243 = arith.constant 0 : index
    %get3A_244 = arith.constant 3 : index
    %get3A_245 = vector.load %arg13[%get3A_243, %get3A_244] : memref<1024x4xf32, #tpu.memory_space<vmem>>, vector<1024x1xf32>
    %get3A_246 = arith.constant 0 : index
    %get3A_247 = arith.constant 2 : index
    %get3A_248 = vector.load %arg11[%get3A_246, %get3A_247] : memref<1024x4xi32, #tpu.memory_space<vmem>>, vector<1024x1xi32>
    %convert_element_type3A_249 = arith.sitofp %get3A_248 : vector<1024x1xi32> to vector<1024x1xf32>
    %get3A_250 = arith.constant 0 : index
    %get3A_251 = arith.constant 3 : index
    %get3A_252 = vector.load %arg11[%get3A_250, %get3A_251] : memref<1024x4xi32, #tpu.memory_space<vmem>>, vector<1024x1xi32>
    %convert_element_type3A_253 = arith.sitofp %get3A_252 : vector<1024x1xi32> to vector<1024x1xf32>
    %select_n3A_254 = arith.select %gt3A_231, %broadcast_in_dim3A_168, %get3A_221 : vector<1024x1xi1>, vector<1024x1xf32>
    %select_n3A_255 = arith.select %ge3A_232, %get3A_221, %broadcast_in_dim3A_196 : vector<1024x1xi1>, vector<1024x1xf32>
    %select_n3A_256 = arith.select %ge3A_233, %get3A_224, %broadcast_in_dim3A_168 : vector<1024x1xi1>, vector<1024x1xf32>
    %select_n3A_257 = arith.select %gt3A_231, %select_n3A_255, %select_n3A_256 : vector<1024x1xi1>, vector<1024x1xf32>
    %swap3A_258 = arith.constant 0 : index
    %swap3A_259 = arith.constant 2 : index
    %swap3A_260 = vector.load %arg10[%swap3A_258, %swap3A_259] : memref<1024x4xf32, #tpu.memory_space<vmem>>, vector<1024x1xf32>
    tpu.vector_store %arg10[%swap3A_258, %swap3A_259], %select_n3A_254 {strides = array<i32>} : memref<1024x4xf32, #tpu.memory_space<vmem>>, vector<1024x1xf32>,
    %swap3A_261 = arith.constant 0 : index
    %swap3A_262 = arith.constant 3 : index
    %swap3A_263 = vector.load %arg10[%swap3A_261, %swap3A_262] : memref<1024x4xf32, #tpu.memory_space<vmem>>, vector<1024x1xf32>
    tpu.vector_store %arg10[%swap3A_261, %swap3A_262], %select_n3A_257 {strides = array<i32>} : memref<1024x4xf32, #tpu.memory_space<vmem>>, vector<1024x1xf32>,
    %select_n3A_264 = arith.select %gt3A_231, %broadcast_in_dim3A_184, %get3A_236 : vector<1024x1xi1>, vector<1024x1xf32>
    %select_n3A_265 = arith.select %ge3A_232, %get3A_236, %broadcast_in_dim3A_212 : vector<1024x1xi1>, vector<1024x1xf32>
    %select_n3A_266 = arith.select %ge3A_233, %get3A_239, %broadcast_in_dim3A_184 : vector<1024x1xi1>, vector<1024x1xf32>
    %select_n3A_267 = arith.select %gt3A_231, %select_n3A_265, %select_n3A_266 : vector<1024x1xi1>, vector<1024x1xf32>
    %swap3A_268 = arith.constant 0 : index
    %swap3A_269 = arith.constant 2 : index
    %swap3A_270 = vector.load %arg12[%swap3A_268, %swap3A_269] : memref<1024x4xf32, #tpu.memory_space<vmem>>, vector<1024x1xf32>
    tpu.vector_store %arg12[%swap3A_268, %swap3A_269], %select_n3A_264 {strides = array<i32>} : memref<1024x4xf32, #tpu.memory_space<vmem>>, vector<1024x1xf32>,
    %swap3A_271 = arith.constant 0 : index
    %swap3A_272 = arith.constant 3 : index
    %swap3A_273 = vector.load %arg12[%swap3A_271, %swap3A_272] : memref<1024x4xf32, #tpu.memory_space<vmem>>, vector<1024x1xf32>
    tpu.vector_store %arg12[%swap3A_271, %swap3A_272], %select_n3A_267 {strides = array<i32>} : memref<1024x4xf32, #tpu.memory_space<vmem>>, vector<1024x1xf32>,
    %select_n3A_274 = arith.select %gt3A_231, %broadcast_in_dim3A_190, %get3A_242 : vector<1024x1xi1>, vector<1024x1xf32>
    %select_n3A_275 = arith.select %ge3A_232, %get3A_242, %broadcast_in_dim3A_218 : vector<1024x1xi1>, vector<1024x1xf32>
    %select_n3A_276 = arith.select %ge3A_233, %get3A_245, %broadcast_in_dim3A_190 : vector<1024x1xi1>, vector<1024x1xf32>
    %select_n3A_277 = arith.select %gt3A_231, %select_n3A_275, %select_n3A_276 : vector<1024x1xi1>, vector<1024x1xf32>
    %swap3A_278 = arith.constant 0 : index
    %swap3A_279 = arith.constant 2 : index
    %swap3A_280 = vector.load %arg13[%swap3A_278, %swap3A_279] : memref<1024x4xf32, #tpu.memory_space<vmem>>, vector<1024x1xf32>
    tpu.vector_store %arg13[%swap3A_278, %swap3A_279], %select_n3A_274 {strides = array<i32>} : memref<1024x4xf32, #tpu.memory_space<vmem>>, vector<1024x1xf32>,
    %swap3A_281 = arith.constant 0 : index
    %swap3A_282 = arith.constant 3 : index
    %swap3A_283 = vector.load %arg13[%swap3A_281, %swap3A_282] : memref<1024x4xf32, #tpu.memory_space<vmem>>, vector<1024x1xf32>
    tpu.vector_store %arg13[%swap3A_281, %swap3A_282], %select_n3A_277 {strides = array<i32>} : memref<1024x4xf32, #tpu.memory_space<vmem>>, vector<1024x1xf32>,
    %select_n3A_284 = arith.select %gt3A_231, %add3A_227, %convert_element_type3A_249 : vector<1024x1xi1>, vector<1024x1xf32>
    %select_n3A_285 = arith.select %ge3A_232, %convert_element_type3A_249, %add3A_230 : vector<1024x1xi1>, vector<1024x1xf32>
    %select_n3A_286 = arith.select %ge3A_233, %convert_element_type3A_253, %add3A_227 : vector<1024x1xi1>, vector<1024x1xf32>
    %select_n3A_287 = arith.select %gt3A_231, %select_n3A_285, %select_n3A_286 : vector<1024x1xi1>, vector<1024x1xf32>
    %convert_element_type3A_288 = arith.fptosi %select_n3A_284 : vector<1024x1xf32> to vector<1024x1xi32>
    %swap3A_289 = arith.constant 0 : index
    %swap3A_290 = arith.constant 2 : index
    %swap3A_291 = vector.load %arg11[%swap3A_289, %swap3A_290] : memref<1024x4xi32, #tpu.memory_space<vmem>>, vector<1024x1xi32>
    tpu.vector_store %arg11[%swap3A_289, %swap3A_290], %convert_element_type3A_288 {strides = array<i32>} : memref<1024x4xi32, #tpu.memory_space<vmem>>, vector<1024x1xi32>,
    %convert_element_type3A_292 = arith.fptosi %select_n3A_287 : vector<1024x1xf32> to vector<1024x1xi32>
    %swap3A_293 = arith.constant 0 : index
    %swap3A_294 = arith.constant 3 : index
    %swap3A_295 = vector.load %arg11[%swap3A_293, %swap3A_294] : memref<1024x4xi32, #tpu.memory_space<vmem>>, vector<1024x1xi32>
    tpu.vector_store %arg11[%swap3A_293, %swap3A_294], %convert_element_type3A_292 {strides = array<i32>} : memref<1024x4xi32, #tpu.memory_space<vmem>>, vector<1024x1xi32>,
    %eq3A_296 = arith.constant 15 : i32
    %eq3A_297 = arith.cmpi eq, %arg1, %eq3A_296 : i32
    %convert_element_type3A_298 = arith.extui %eq3A_297 : i1 to i32
    %cond3A_299 = arith.constant 0 : i32
    %cond3A_300 = arith.cmpi ne, %convert_element_type3A_298, %cond3A_299 : i32
    scf.if %cond3A_300 {
      %get3A_301 = arith.constant 0 : index
      %get3A_302 = arith.constant 0 : index
      %get3A_303 = vector.load %arg12[%get3A_301, %get3A_302] : memref<1024x4xf32, #tpu.memory_space<vmem>>, vector<1024x1xf32>
      %get3A_304 = arith.constant 0 : index
      %get3A_305 = arith.constant 1 : index
      %get3A_306 = vector.load %arg12[%get3A_304, %get3A_305] : memref<1024x4xf32, #tpu.memory_space<vmem>>, vector<1024x1xf32>
      %get3A_307 = arith.constant 0 : index
      %get3A_308 = arith.constant 0 : index
      %get3A_309 = vector.load %arg13[%get3A_307, %get3A_308] : memref<1024x4xf32, #tpu.memory_space<vmem>>, vector<1024x1xf32>
      %get3A_310 = arith.constant 0 : index
      %get3A_311 = arith.constant 1 : index
      %get3A_312 = vector.load %arg13[%get3A_310, %get3A_311] : memref<1024x4xf32, #tpu.memory_space<vmem>>, vector<1024x1xf32>
      %get3A_313 = arith.constant 0 : index
      %get3A_314 = arith.constant 0 : index
      %get3A_315 = vector.load %arg11[%get3A_313, %get3A_314] : memref<1024x4xi32, #tpu.memory_space<vmem>>, vector<1024x1xi32>
      %get3A_316 = arith.constant 0 : index
      %get3A_317 = arith.constant 1 : index
      %get3A_318 = vector.load %arg11[%get3A_316, %get3A_317] : memref<1024x4xi32, #tpu.memory_space<vmem>>, vector<1024x1xi32>
      %log3A = math.log %get3A_303 : vector<1024x1xf32>
      %log3A_319 = math.log %get3A_309 : vector<1024x1xf32>
      %neg3A = arith.constant 0.000000e+00 : f32
      %neg3A_320 = vector.broadcast %neg3A : f32 to vector<1024x1xf32>
      %neg3A_321 = arith.subf %neg3A_320, %log3A_319 : vector<1024x1xf32>
      %add3A_322 = arith.addf %log3A, %neg3A_321 : vector<1024x1xf32>
      %log3A_323 = math.log %get3A_306 : vector<1024x1xf32>
      %log3A_324 = math.log %get3A_312 : vector<1024x1xf32>
      %neg3A_325 = arith.constant 0.000000e+00 : f32
      %neg3A_326 = vector.broadcast %neg3A_325 : f32 to vector<1024x1xf32>
      %neg3A_327 = arith.subf %neg3A_326, %log3A_324 : vector<1024x1xf32>
      %add3A_328 = arith.addf %log3A_323, %neg3A_327 : vector<1024x1xf32>
      %gt3A_329 = arith.cmpf ogt, %add3A_322, %add3A_328 : vector<1024x1xf32>
      %eq3A_330 = arith.cmpf oeq, %add3A_322, %add3A_328 : vector<1024x1xf32>
      %lt3A = arith.cmpi slt, %get3A_315, %get3A_318 : vector<1024x1xi32>
      %and3A = arith.andi %eq3A_330, %lt3A : vector<1024x1xi1>
      %or3A = arith.ori %gt3A_329, %and3A : vector<1024x1xi1>
      %select_n3A_331 = arith.select %or3A, %get3A_315, %get3A_318 : vector<1024x1xi1>, vector<1024x1xi32>
      %squeeze3A = vector.shape_cast %select_n3A_331 : vector<1024x1xi32> to vector<1024xi32>
      %swap3A_332 = arith.constant 0 : index
      %swap3A_333 = vector.load %arg7[%swap3A_332] : memref<1024xi32, #tpu.memory_space<vmem>>, vector<1024xi32>
      tpu.vector_store %arg7[%swap3A_332], %squeeze3A {strides = array<i32>} : memref<1024xi32, #tpu.memory_space<vmem>>, vector<1024xi32>,
      %get3A_334 = arith.constant 0 : index
      %get3A_335 = arith.constant 2 : index
      %get3A_336 = vector.load %arg12[%get3A_334, %get3A_335] : memref<1024x4xf32, #tpu.memory_space<vmem>>, vector<1024x1xf32>
      %get3A_337 = arith.constant 0 : index
      %get3A_338 = arith.constant 3 : index
      %get3A_339 = vector.load %arg12[%get3A_337, %get3A_338] : memref<1024x4xf32, #tpu.memory_space<vmem>>, vector<1024x1xf32>
      %get3A_340 = arith.constant 0 : index
      %get3A_341 = arith.constant 2 : index
      %get3A_342 = vector.load %arg13[%get3A_340, %get3A_341] : memref<1024x4xf32, #tpu.memory_space<vmem>>, vector<1024x1xf32>
      %get3A_343 = arith.constant 0 : index
      %get3A_344 = arith.constant 3 : index
      %get3A_345 = vector.load %arg13[%get3A_343, %get3A_344] : memref<1024x4xf32, #tpu.memory_space<vmem>>, vector<1024x1xf32>
      %get3A_346 = arith.constant 0 : index
      %get3A_347 = arith.constant 2 : index
      %get3A_348 = vector.load %arg11[%get3A_346, %get3A_347] : memref<1024x4xi32, #tpu.memory_space<vmem>>, vector<1024x1xi32>
      %get3A_349 = arith.constant 0 : index
      %get3A_350 = arith.constant 3 : index
      %get3A_351 = vector.load %arg11[%get3A_349, %get3A_350] : memref<1024x4xi32, #tpu.memory_space<vmem>>, vector<1024x1xi32>
      %log3A_352 = math.log %get3A_336 : vector<1024x1xf32>
      %log3A_353 = math.log %get3A_342 : vector<1024x1xf32>
      %neg3A_354 = arith.constant 0.000000e+00 : f32
      %neg3A_355 = vector.broadcast %neg3A_354 : f32 to vector<1024x1xf32>
      %neg3A_356 = arith.subf %neg3A_355, %log3A_353 : vector<1024x1xf32>
      %add3A_357 = arith.addf %log3A_352, %neg3A_356 : vector<1024x1xf32>
      %log3A_358 = math.log %get3A_339 : vector<1024x1xf32>
      %log3A_359 = math.log %get3A_345 : vector<1024x1xf32>
      %neg3A_360 = arith.constant 0.000000e+00 : f32
      %neg3A_361 = vector.broadcast %neg3A_360 : f32 to vector<1024x1xf32>
      %neg3A_362 = arith.subf %neg3A_361, %log3A_359 : vector<1024x1xf32>
      %add3A_363 = arith.addf %log3A_358, %neg3A_362 : vector<1024x1xf32>
      %gt3A_364 = arith.cmpf ogt, %add3A_357, %add3A_363 : vector<1024x1xf32>
      %eq3A_365 = arith.cmpf oeq, %add3A_357, %add3A_363 : vector<1024x1xf32>
      %lt3A_366 = arith.cmpi slt, %get3A_348, %get3A_351 : vector<1024x1xi32>
      %and3A_367 = arith.andi %eq3A_365, %lt3A_366 : vector<1024x1xi1>
      %or3A_368 = arith.ori %gt3A_364, %and3A_367 : vector<1024x1xi1>
      %select_n3A_369 = arith.select %or3A_368, %get3A_348, %get3A_351 : vector<1024x1xi1>, vector<1024x1xi32>
      %squeeze3A_370 = vector.shape_cast %select_n3A_369 : vector<1024x1xi32> to vector<1024xi32>
      %swap3A_371 = arith.constant 0 : index
      %swap3A_372 = vector.load %arg8[%swap3A_371] : memref<1024xi32, #tpu.memory_space<vmem>>, vector<1024xi32>
      tpu.vector_store %arg8[%swap3A_371], %squeeze3A_370 {strides = array<i32>} : memref<1024xi32, #tpu.memory_space<vmem>>, vector<1024xi32>,
      %get3A_373 = arith.constant 0 : index
      %get3A_374 = arith.constant 0 : index
      %get3A_375 = vector.load %arg14[%get3A_373, %get3A_374] : memref<1024x1xf32, #tpu.memory_space<vmem>>, vector<1024x1xf32>
      %div3A_376 = arith.constant 2.000000e+00 : f32
      %div3A_377 = vector.broadcast %div3A_376 : f32 to vector<1024x1xf32>
      %div3A_378 = arith.divf %get3A_375, %div3A_377 : vector<1024x1xf32>
      %broadcast_in_dim3A_379 = vector.shape_cast %div3A_378 : vector<1024x1xf32> to vector<1024x1xf32>
      %broadcast_in_dim3A_380 = vector.broadcast %broadcast_in_dim3A_379 : vector<1024x1xf32> to vector<1024x16xf32>
      %swap3A_381 = arith.constant 0 : index
      %swap3A_382 = arith.constant 0 : index
      %swap3A_383 = vector.load %arg9[%swap3A_381, %swap3A_382] : memref<1024x16xf32, #tpu.memory_space<vmem>>, vector<1024x16xf32>
      tpu.vector_store %arg9[%swap3A_381, %swap3A_382], %broadcast_in_dim3A_380 {strides = array<i32>} : memref<1024x16xf32, #tpu.memory_space<vmem>>, vector<1024x16xf32>,
    } else {
    }
    return
  }
  func.func @transform_0(%arg0: i32, %arg1: i32) -> (i32, i32) {
    %c0_i32 = arith.constant 0 : i32
    %c0_i32_0 = arith.constant 0 : i32
    return %arg0, %c0_i32 : i32, i32
  }
  func.func @transform_1(%arg0: i32, %arg1: i32) -> (i32, i32) {
    %c0_i32 = arith.constant 0 : i32
    %c0_i32_0 = arith.constant 0 : i32
    return %arg1, %c0_i32 : i32, i32
  }
  func.func @transform_2(%arg0: i32, %arg1: i32) -> i32 {
    %c0_i32 = arith.constant 0 : i32
    return %arg1 : i32
  }
  func.func @transform_3(%arg0: i32, %arg1: i32) -> (i32, i32) {
    %c0_i32 = arith.constant 0 : i32
    return %arg0, %arg1 : i32, i32
  }
  func.func @transform_4(%arg0: i32, %arg1: i32) -> (i32, i32) {
    %c0_i32 = arith.constant 0 : i32
    return %arg0, %arg1 : i32, i32
  }
  func.func @transform_5(%arg0: i32, %arg1: i32) -> i32 {
    %c0_i32 = arith.constant 0 : i32
    return %arg0 : i32
  }
  func.func @transform_6(%arg0: i32, %arg1: i32) -> i32 {
    %c0_i32 = arith.constant 0 : i32
    return %arg0 : i32
  }
  func.func @transform_7(%arg0: i32, %arg1: i32) -> (i32, i32) {
    %c0_i32 = arith.constant 0 : i32
    %c0_i32_0 = arith.constant 0 : i32
    return %arg0, %c0_i32 : i32, i32
  }
}

</mosaic_0001>

<sc_bundles>
// kernel: kernel.5.cloned.1.call-start
scs
__scs_entry_jumppad:
0x0: {  	(pc) =	sbr.rel $0x88, $3  }
0x1: {  	(tag) =	ssettag $0x0;
	lr =	simm.s32 $0x1  }
0x2: {  	[smem:$0x3F9D] =	sst lr;
	_ =	strace $0xD0000000  }
0x3: {  	_ = 	snop  }
0x4: {  	_ = 	snop  }
0x5: {  	_ = 	snop  }
0x6: {  	_ = 	snop  }
0x7: {  	_ = 	snop  }
__scs_overlays_trampoline_lowered:
0x8: {  	[smem:$0x3FAC] =	sst s0  }
0x9: {  	[smem:$0x3FAD] =	sst s1  }
0xa: {  	[smem:$0x3FAE] =	sst s2  }
0xb: {  	[smem:$0x3FAF] =	sst s3  }
0xc: {  	[smem:$0x3FB0] =	sst s4  }
0xd: {  	[smem:$0x3FB1] =	sst s5  }
0xe: {  	[smem:$0x3FB2] =	sst s6  }
0xf: {  	[smem:$0x3FB3] =	sst s7  }
0x10: {  	[smem:$0x3FB4] =	sst s8  }
0x11: {  	[smem:$0x3FB5] =	sst s9;
	s0 =	simm.s32 @!p0 $0x0  }
0x12: {  	s1 =	sld [smem:$0x3F9B];
	s0 =	simm.s32 @p0 $0x1  }
0x13: {  	[smem:$0x3FB6] =	sst s0;
	s0 =	simm.s32 @!p1 $0x0  }
0x14: {  	s2 =	sld [smem:$0x3F9A];
	s0 =	simm.s32 @p1 $0x1  }
0x15: {  	[smem:$0x3FB7] =	sst s0;
	s0 =	simm.s32 @!p2 $0x0  }
0x16: {  	s3 =	sld [smem:$0x3FDB];
	s0 =	simm.s32 @p2 $0x1  }
0x17: {  	s4 =	simm.s32 $0x1BF5;
	[smem:$0x3FB9] =	sst s0  }
0x18: {  	s0 =	sld [smem:$0x3F9C];
	_ =	swait.ge [sflag:s4], $0x0  }
0x19: {  	s7 =	sld [smem:$0x3F9D]  }
0x1a: {  	s8 =	sadd.s32 $0xFFFFE003, lr  }
0x1b: {  	s9 =	sadd.s32 $0xFFFFFEF7, lr;
	s5 =	simm.s32 $0xFFFFFFFF;
	p2 =	slt.u32 s8, $0xFFFFF086  }
0x1c: {  	p1 =	slt.u32 s9, $0xF7A;
	s5 =	simm.s32 @!p2 $0x0  }
0x1d: {  	s5 =	simm.s32 @p1 $0x1;
	p0 =	seq.s32 s7, s2  }
0x1e: {  	s7 =	smul.u32 @!p0 $0xF7A, s2;
	p2 =	seq.s32 @!p0 s5, $0x0  }
0x1f: {  	s9 =	smul.u32 $0xF7A, s1;
	s8 =	simm.s32 @!p0 $0x1BF5;
	p2 =	por !p2, p0  }
0x20: {  	[sflag:s8] =	ssyncset.s32 @!p0 $0xFFFFF086;
	s6 =	sadd.s32 @!p0 s3, s7;
	s7 =	simm.s32 @!p0 $0x108  }
0x21: {  	s3 =	sadd.s32 s3, s9;
	s6 =	sadd.s32 @!p0 $0x88, s6;
	s7 =	simm.s32 @p2 $0x1082  }
0x22: {  	[simem:s7], [sflag:s8] =	dma.local @!p0 [hbm:s6], $0xF7A  }
0x23: {  	s9 =	sor.u32 $0xD0000000, s2;
	s6 =	simm.s32 $0x108;
	_ =	swait.ge @!p0 [sflag:s8], $0x0  }
0x24: {  	s3 =	sadd.s32 $0x88, s3;
	s6 =	simm.s32 @!p1 $0x1082;
	[sflag:s4] =	ssyncset.s32 $0xFFFFF086  }
0x25: {  	[simem:s6], [sflag:s4] =	dma.local [hbm:s3], $0xF7A  }
0x26: {  	[smem:$0x3F9D] =	sst s1;
	(tag) =	ssettag s2;
	_ =	strace s9  }
0x27: {  	s1 =	sld [smem:$0x3FAD]  }
0x28: {  	s2 =	sld [smem:$0x3FAE]  }
0x29: {  	s4 =	sld [smem:$0x3FB0]  }
0x2a: {  	p0 =	seq.s32 s5, $0x0;
	s5 =	sld [smem:$0x3FB1]  }
0x2b: {  	s6 =	sld [smem:$0x3FB2]  }
0x2c: {  	s7 =	sld [smem:$0x3FB3]  }
0x2d: {  	s3 =	simm.s32 $0x108;
	s8 =	sld [smem:$0x3FB4]  }
0x2e: {  	s3 =	simm.s32 @!p0 $0x1082;
	s9 =	sld [smem:$0x3FB5]  }
0x2f: {  	lr =	sadd.s32 s0, s3;
	s0 =	sld [smem:$0x3FAC]  }
0x30: {  	s3 =	sld [smem:$0x3FAF]  }
0x31: {  	[smem:$0x3FB8] =	sst s10  }
0x32: {  	s10 =	sld [smem:$0x3FB6];
	_ =	sdelay $0x3  }
0x33: {  	p0 =	seq.s32 s10, $0x1;
	s10 =	sld [smem:$0x3FB8];
	_ =	sdelay $0x3  }
0x34: {  	[smem:$0x3FB8] =	sst s10  }
0x35: {  	s10 =	sld [smem:$0x3FB7];
	_ =	sdelay $0x3  }
0x36: {  	p1 =	seq.s32 s10, $0x1;
	s10 =	sld [smem:$0x3FB8];
	_ =	sdelay $0x3  }
0x37: {  	[smem:$0x3FB8] =	sst s10  }
0x38: {  	s10 =	sld [smem:$0x3FB9]  }
0x39: {  	_ = 	snop;
	(pc) =	sbr.ind lr, $3  }
0x3a: {  	_ = 	snop  }
0x3b: {  	_ = 	snop  }
0x3c: {  	p2 =	seq.s32 s10, $0x1;
	s10 =	sld [smem:$0x3FB8]  }
0x3d: {  	_ =	shalt  }
0x3e: {  	_ =	shalt  }
0x3f: {  	_ =	shalt  }
0x40: {  	_ =	shalt  }
0x41: {  	_ =	shalt  }
0x42: {  	_ =	shalt  }
0x43: {  	_ =	shalt  }
0x44: {  	_ =	shalt  }
0x45: {  	_ =	shalt  }
0x46: {  	_ =	shalt  }
0x47: {  	_ =	shalt  }
0x48: {  	_ =	shalt  }
0x49: {  	_ =	shalt  }
0x4a: {  	_ =	shalt  }
0x4b: {  	_ =	shalt  }
0x4c: {  	_ =	shalt  }
0x4d: {  	_ =	shalt  }
0x4e: {  	_ =	shalt  }
0x4f: {  	_ =	shalt  }
0x50: {  	_ =	shalt  }
0x51: {  	_ =	shalt  }
0x52: {  	_ =	shalt  }
0x53: {  	_ =	shalt  }
0x54: {  	_ =	shalt  }
0x55: {  	_ =	shalt  }
0x56: {  	_ =	shalt  }
0x57: {  	_ =	shalt  }
0x58: {  	_ =	shalt  }
0x59: {  	_ =	shalt  }
0x5a: {  	_ =	shalt  }
0x5b: {  	_ =	shalt  }
0x5c: {  	_ =	shalt  }
0x5d: {  	_ =	shalt  }
0x5e: {  	_ =	shalt  }
0x5f: {  	_ =	shalt  }
0x60: {  	_ =	shalt  }
0x61: {  	_ =	shalt  }
0x62: {  	_ =	shalt  }
0x63: {  	_ =	shalt  }
0x64: {  	_ =	shalt  }
0x65: {  	_ =	shalt  }
0x66: {  	_ =	shalt  }
0x67: {  	_ =	shalt  }
0x68: {  	_ =	shalt  }
0x69: {  	_ =	shalt  }
0x6a: {  	_ =	shalt  }
0x6b: {  	_ =	shalt  }
0x6c: {  	_ =	shalt  }
0x6d: {  	_ =	shalt  }
0x6e: {  	_ =	shalt  }
0x6f: {  	_ =	shalt  }
0x70: {  	_ =	shalt  }
0x71: {  	_ =	shalt  }
0x72: {  	_ =	shalt  }
0x73: {  	_ =	shalt  }
0x74: {  	_ =	shalt  }
0x75: {  	_ =	shalt  }
0x76: {  	_ =	shalt  }
0x77: {  	_ =	shalt  }
0x78: {  	_ =	shalt  }
0x79: {  	_ =	shalt  }
0x7a: {  	_ =	shalt  }
0x7b: {  	_ =	shalt  }
0x7c: {  	_ =	shalt  }
0x7d: {  	_ =	shalt  }
0x7e: {  	_ =	shalt  }
0x7f: {  	_ =	shalt  }
0x80: {  	_ =	shalt  }
0x81: {  	_ =	shalt  }
0x82: {  	_ =	shalt  }
0x83: {  	_ =	shalt  }
0x84: {  	_ =	shalt  }
0x85: {  	_ =	shalt  }
0x86: {  	_ =	shalt  }
0x87: {  	_ =	shalt  }
.Lfunc_end0:
.L_simem_size_0:
called_computation_lowered:
.L_overlay_start_0:
0x88: {  	s2 =	sld [smem:$0x3FD9]  }
0x89: {  	s3 =	sld [smem:$0x3FFE];
	_ =	sdelay $0x1  }
0x8a: {  	s1 =	srdreg.scid  }
0x8b: {  	s0 =	sand.u32 $0x1, s1  }
0x8c: {  	s17 =	sshll.u32 s0, $0xA;
	s2 =	sadd.s32 s3, s2  }
0x8d: {  	s2 =	sadd.s32 s2, s17  }
0x8e: {  	[smem:$0x3FC4] =	sst s2  }
0x8f: {  	_ = 	snop  }
0x90: {  	s2 =	sld [smem:$0x3FC6]  }
0x91: {  	s18 =	sld [smem:$0x3FD0];
	(tm) =	ssettm $0x1  }
0x92: {  	s4 =	sld [smem:$0x3FFB];
	_ =	sdelay $0x3  }
0x93: {  	_ =	strace s4  }
0x94: {  	s4 =	sld [smem:$0x3FFC];
	_ =	sdelay $0x3  }
0x95: {  	_ =	strace s4  }
0x96: {  	s4 =	sld [smem:$0x3FFD];
	_ =	sdelay $0x3  }
0x97: {  	_ =	strace s4  }
0x98: {  	_ =	strace $0x8FFFFFFF  }
0x99: {  	s19 =	sld [smem:$0x3FDB];
	_ =	sdelay $0x1  }
0x9a: {  	s5 =	simm.s32 $_scs_section_size  }
0x9b: {  	s6 =	simm.s32 $_size__tile_overlayer_lowered;
	s7 =	simm.s32 $_tile_overlayer_lowered  }
0x9c: {  	s22 =	simm.s32 $0x1BFF;
	s21 =	sshll.u32 s7, $0x1;
	s4 =	sadd.s32 s5, s19  }
0x9d: {  	s8 =	simm.s32 $0x0;
	s20 =	sshll.u32 s6, $0x1;
	s6 =	sadd.s32 s21, s4  }
0x9e: {  	[timem:s8], [sflag:s22] =	dma.local [hbm:s6], s20  }
0x9f: {  	_ =	swait.ge [sflag:s22], s20  }
0xa0: {  	s5 =	ssub.s32 $0x0, s20;
	[sflag:s22] =	ssyncset.done $0x0  }
0xa1: {  	[sflag:s22] =	ssyncadd.s32 s5;
	_ =	sdelay $0x1  }
0xa2: {  	s23 =	simm.s32 $0x1B8B  }
0xa3: {  	_ =	swait.ge [sflag:s23], $0x1  }
0xa4: {  	[sflag:s23] =	ssyncset.done $0x0  }
0xa5: {  	s25 =	simm.s32 $0x1B8E;
	s24 =	sld [smem:$0x3FFE];
	[sflag:s23] =	ssyncadd.s32 $0xFFFFFFFF  }
0xa6: {  	s26 =	simm.s32 $execute0_lowered;
	[smem:$0x3FD2] =	sst s25  }
0xa7: {  	s6 =	sshll.u32 s26, $0x1;
	_ =	strace $0x80000046;
	[dreg:$0x1] =	wrdreg $0xFFFFFFFF  }
0xa8: {  	s28 =	simm.s32 $_size_execute0_lowered;
	s4 =	sadd.s32 s4, s6;
	[dreg:$0x0] =	wrdreg $0x0  }
0xa9: {  	s6 =	sshll.u32 s28, $0x1;
	[dreg:$0x2] =	wrdreg s4  }
0xaa: {  	[dreg:$0x3] =	wrdreg s6  }
0xab: {  	[dreg:$0x4] =	wrdreg $0xC0  }
0xac: {  	_ =	task [dreg:s8], $0x5FFFF  }
0xad: {  	[dreg:$0x1] =	wrdreg $0xFFFFFFFF  }
0xae: {  	[dreg:$0x0] =	wrdreg $0x60  }
0xaf: {  	[dreg:$0x2] =	wrdreg s24  }
0xb0: {  	[dreg:$0x3] =	wrdreg s2  }
0xb1: {  	[dreg:$0x4] =	wrdreg s18  }
0xb2: {  	[dreg:$0x5] =	wrdreg $0x9  }
0xb3: {  	_ =	task.clear_ibuf [dreg:s8], $0x6FFFF;
	_ =	strace $0x90000046  }
0xb4: {  	s29 =	simm.s32 $0x9;
	_ =	strace $0x80000048  }
0xb5: {  	_ =	swait.ge [sflag:s29], $0x1  }
0xb6: {  	[sflag:s29] =	ssyncadd.s32 $0xFFFFFFFF  }
0xb7: {  	_ =	strace $0x90000048  }
0xb8: {  	_ =	sfence  }
0xb9: {  	s30 =	sld [smem:$0x0];
	_ =	sdelay $0x2  }
0xba: {  	s31 =	sshll.u32 s1, $0xD;
	s1 =	sshrl.u32 s1, $0x2  }
0xbb: {  	s3 =	sand.u32 $0x4000, s31;
	s1 =	sadd.s32 s1, s30  }
0xbc: {  	s0 =	sor.u32 s3, s0;
	s1 =	sshll.u32 s1, $0x11  }
0xbd: {  	s0 =	sor.u32 s1, s0  }
0xbe: {  	s0 =	sadd.s32 $0x8F2B, s0  }
0xbf: {  	[sflag:s0] =	ssyncadd.remote.s32 $0x1  }
0xc0: {  	_ =	sfence.sel $0xFFFF  }
0xc1: {  	[dreg:$0x0] =	wrdreg $0xFFFFFFFF;
	(pc) =	sbr.abs _section_cstart, $3  }
0xc2: {  	[dreg:$0x1] =	wrdreg $0xFFFFFFFF  }
0xc3: {  	_ =	task.clear_ibuf [dreg:s8], $0x2FFFF;
	_ =	strace $0x9FFFFFFF  }
0xc4: {  	(tm) =	ssettm $0x7FFFFFFF  }
0xc5: {  	_ =	shalt  }
tec
execute0_lowered:
.L_overlay_start_1:
0x0: {  	(tag) =	ssettag $0x1  }
0x1: {  	s0 =	rddreg [dreg:$0x0]  }
0x2: {  	s1 =	rddreg [dreg:$0x1]  }
0x3: {  	s3 =	rddreg [dreg:$0x2];
	s2 =	simm.s32 $0x0  }
0x4: {  	s4 =	srdreg.scid;
	s7 =	stileid.u32;
	s28 =	simm.s32 $0x100  }
0x5: {  	s29 =	simm.s32 $0xC900;
	s30 =	simm.s32 $0xD100;
	s31 =	simm.s32 $0xD900  }
0x6: {  	[smem:$0x7FF] =	sst s2;
	s5 =	sadd.s32 $0x11200, s0;
	s4 =	sand.u32 $0x1, s4  }
0x7: {  	s7 =	sshll.u32 s7, $0x8;
	s10 =	sadd.s32 $0x11400, s0;
	s0 =	sadd.s32 $0x1200, s0  }
0x8: {  	s9 =	sadd.s32 $0x300, s1;
	s6 =	ssub.s32 $0x2, s4;
	s4 =	sshll.u32 s4, $0x7  }
0x9: {  	_ =	strace $0x80000047;
	s8 =	sshrl.u32 s6, $0x1;
	s4 =	sor.u32 s4, s7  }
0xa: {  	s6 =	ssub.s32 s6, s8;
	s7 =	sshrl.u32 s4, $0x3;
	s25 =	sshll.u32 s4, $0x4  }
0xb: {  	s11 =	sor.u32 $0x20, s4;
	s8 =	sadd.s32 $0x200, s1;
	s12 =	sshll.u32 s4, $0x7  }
0xc: {  	s15 =	sor.u32 $0x40, s4;
	s4 =	sor.u32 $0x60, s4;
	s24 =	sadd.s32 s5, s7  }
0xd: {  	s7 =	sadd.s32 s10, s7;
	s13 =	sshrl.u32 s11, $0x3;
	s12 =	sadd.s32 s3, s12  }
0xe: {  	s14 =	sshll.u32 s11, $0x4;
	s11 =	sshll.u32 s11, $0x7;
	[dreg:$0x4] =	wrdreg s24  }
0xf: {  	s16 =	sshrl.u32 s15, $0x3;
	s19 =	sshll.u32 s15, $0x4;
	[dreg:$0x5] =	wrdreg s7  }
0x10: {  	s20 =	sshrl.u32 s4, $0x3;
	s7 =	sadd.s32 s0, s25;
	[dreg:$0x7] =	wrdreg s12  }
0x11: {  	s21 =	sshll.u32 s15, $0x7;
	s26 =	sadd.s32 s5, s13;
	[dreg:$0x6] =	wrdreg s7  }
0x12: {  	s23 =	sshll.u32 s4, $0x4;
	s13 =	sadd.s32 s10, s13;
	[dreg:$0x8] =	wrdreg s26  }
0x13: {  	s4 =	sshll.u32 s4, $0x7;
	s12 =	sadd.s32 s0, s14;
	[dreg:$0x9] =	wrdreg s13  }
0x14: {  	s11 =	sadd.s32 s3, s11;
	s17 =	sadd.s32 s5, s16;
	[dreg:$0xa] =	wrdreg s12  }
0x15: {  	s18 =	sadd.s32 s10, s16;
	s5 =	sadd.s32 s5, s20;
	[dreg:$0xb] =	wrdreg s11  }
0x16: {  	s22 =	sadd.s32 s10, s20;
	s24 =	sadd.s32 s3, s21;
	[dreg:$0xc] =	wrdreg s17  }
0x17: {  	s25 =	sadd.s32 s3, s4;
	s20 =	simm.s32 $0x9900;
	[dreg:$0xd] =	wrdreg s18  }
0x18: {  	s21 =	simm.s32 $0xA100;
	s3 =	simm.s32 $0xE900;
	[dreg:$0xf] =	wrdreg s5  }
0x19: {  	s4 =	simm.s32 $0xF100;
	s10 =	simm.s32 $0x2;
	[dreg:$0x10] =	wrdreg s22  }
0x1a: {  	s7 =	sadd.s32 $0x100, s1;
	s11 =	sadd.s32 s0, s19;
	[dreg:$0x11] =	wrdreg s24  }
0x1b: {  	s0 =	sadd.s32 s0, s23;
	[dreg:$0x13] =	wrdreg s25;
	s26 =	smax.u32 s6, $0x1  }
0x1c: {  	s24 =	simm.s32 $0x3;
	s22 =	simm.s32 $0xA900;
	[dreg:$0xe] =	wrdreg s11  }
0x1d: {  	v2 =	vlaneseq.u32;
	s23 =	simm.s32 $0xB100;
	s25 =	simm.s32 $0xB900;
	[dreg:$0x12] =	wrdreg s0  }
0x1e: {  	vm0 =	vmmov $0xffff;
	v1 =	vshrl.u32 v2, $0x3;
	s5 =	simm.s32 $0xF900;
	s6 =	simm.s32 $0x1;
	[dreg:$0x14] =	wrdreg s26  }
0x1f: {  	v0 =	vand.u32 $0x7, v2;
	v2 =	vor.u32 $0x8, v2;
	v1 =	vmul.u32 $0x8, v1;
	s26 =	simm.s32 $0xC100;
	s0 =	simm.s32 $0xE100;
	s11 =	simm.s32 $0x0  }
.LBB2_1:
0x20: {  	s12 =	rddreg [dreg:$0x4]  }
0x21: {  	[tilespmem:s2], [sflag:$0x3] =	stream.linear.gather [hbm4b:s12+s2], $0x20, $0x38;
	[tilespmem:$0x11100] =	vst v63  }
0x22: {  	_ =	swait.ge [sflag:s24], $0x20  }
0x23: {  	[sflag:s24] =	ssyncset.done $0x0  }
0x24: {  	s13 =	simm.s32 $0x80;
	s19 =	rddreg [dreg:$0x5];
	[sflag:s24] =	ssyncadd.s32 $0xFFFFFFE0  }
0x25: {  	[tilespmem:s13], [sflag:$0x3] =	stream.linear.gather [hbm4b:s19+s2], $0x20, $0x38;
	[tilespmem:$0x11100] =	vst v63  }
0x26: {  	_ =	swait.ge [sflag:s24], $0x20  }
0x27: {  	[sflag:s24] =	ssyncset.done $0x0  }
0x28: {  	s15 =	simm.s32 $0x10100;
	s14 =	rddreg [dreg:$0x6];
	[sflag:s24] =	ssyncadd.s32 $0xFFFFFFE0  }
0x29: {  	[tilespmem:s15], [sflag:$0x3] =	stream.linear.gather [hbm4b:s14+s2], $0x1000, $0x38;
	[tilespmem:$0x11100] =	vst v63  }
0x2a: {  	_ =	swait.ge [sflag:s24], $0x1000  }
0x2b: {  	[sflag:s24] =	ssyncset.done $0x0  }
0x2c: {  	[sflag:s24] =	ssyncadd.s32 $0xFFFFF000  }
0x2d: {  	v3 =	vld [tilespmem:$0x0];
	_ =	sdelay $0x4  }
0x2e: {  	v4 =	vshll.u32 v3, $0x3  }
0x2f: {  	v3 =	vand.u32 $0x7, v3;
	v4 =	vand.u32 $0xFFFFFFC0, v4  }
0x30: {  	v3 =	vor.u32 v3, v4  }
0x31: {  	v4 =	vperm.xlane v3, v0;
	_ =	sdelay $0x1  }
0x32: {  	v4 =	vadd.s32 v1, v4;
	_ =	sdelay $0x4  }
0x33: {  	[tilespmem:s28], [sflag:$0x1] =	stream.indirect_vreg.gather [hbm4b:s1+s2], $0x80, v4, vm0, $0xb8;
	[tilespmem:$0x11100] =	vst v63  }
0x34: {  	s16 =	simm.s32 $0x900;
	v3 =	vperm.xlane v3, v2  }
0x35: {  	[tilespmem:s16], [sflag:$0x1] =	stream.indirect_vreg.gather [hbm4b:s7+s2], $0x80, v4, vm0, $0xb8;
	[tilespmem:$0x11100] =	vst v63  }
0x36: {  	s17 =	simm.s32 $0x1100;
	v3 =	vadd.s32 v1, v3  }
0x37: {  	[tilespmem:s17], [sflag:$0x1] =	stream.indirect_vreg.gather [hbm4b:s8+s2], $0x80, v4, vm0, $0xb8;
	[tilespmem:$0x11100] =	vst v63  }
0x38: {  	s18 =	simm.s32 $0x1900  }
0x39: {  	[tilespmem:s18], [sflag:$0x1] =	stream.indirect_vreg.gather [hbm4b:s9+s2], $0x80, v4, vm0, $0xb8;
	[tilespmem:$0x11100] =	vst v63  }
0x3a: {  	s19 =	simm.s32 $0x2100  }
0x3b: {  	[tilespmem:s19], [sflag:$0x1] =	stream.indirect_vreg.gather [hbm4b:s1+s2], $0x80, v3, vm0, $0xb8;
	[tilespmem:$0x11100] =	vst v63  }
0x3c: {  	s13 =	simm.s32 $0x2900  }
0x3d: {  	[tilespmem:s13], [sflag:$0x1] =	stream.indirect_vreg.gather [hbm4b:s7+s2], $0x80, v3, vm0, $0xb8;
	[tilespmem:$0x11100] =	vst v63  }
0x3e: {  	s14 =	simm.s32 $0x3100  }
0x3f: {  	[tilespmem:s14], [sflag:$0x1] =	stream.indirect_vreg.gather [hbm4b:s8+s2], $0x80, v3, vm0, $0xb8;
	[tilespmem:$0x11100] =	vst v63  }
0x40: {  	s15 =	simm.s32 $0x3900  }
0x41: {  	[tilespmem:s15], [sflag:$0x1] =	stream.indirect_vreg.gather [hbm4b:s9+s2], $0x80, v3, vm0, $0xb8;
	[tilespmem:$0x11100] =	vst v63  }
0x42: {  	v3 =	vld [tilespmem:$0x10];
	_ =	sdelay $0x4  }
0x43: {  	v61 =	vshll.u32 v3, $0x3  }
0x44: {  	v3 =	vand.u32 $0x7, v3;
	v4 =	vand.u32 $0xFFFFFFC0, v61  }
0x45: {  	v3 =	vor.u32 v3, v4  }
0x46: {  	v4 =	vperm.xlane v3, v0;
	_ =	sdelay $0x1  }
0x47: {  	v4 =	vadd.s32 v1, v4;
	_ =	sdelay $0x3  }
0x48: {  	s16 =	simm.s32 $0x4100  }
0x49: {  	[tilespmem:s16], [sflag:$0x1] =	stream.indirect_vreg.gather [hbm4b:s1+s2], $0x80, v4, vm0, $0xb8;
	[tilespmem:$0x11100] =	vst v63  }
0x4a: {  	s17 =	simm.s32 $0x4900;
	v3 =	vperm.xlane v3, v2  }
0x4b: {  	[tilespmem:s17], [sflag:$0x1] =	stream.indirect_vreg.gather [hbm4b:s7+s2], $0x80, v4, vm0, $0xb8;
	[tilespmem:$0x11100] =	vst v63  }
0x4c: {  	s18 =	simm.s32 $0x5100;
	v3 =	vadd.s32 v1, v3  }
0x4d: {  	[tilespmem:s18], [sflag:$0x1] =	stream.indirect_vreg.gather [hbm4b:s8+s2], $0x80, v4, vm0, $0xb8;
	[tilespmem:$0x11100] =	vst v63  }
0x4e: {  	s19 =	simm.s32 $0x5900  }
0x4f: {  	[tilespmem:s19], [sflag:$0x1] =	stream.indirect_vreg.gather [hbm4b:s9+s2], $0x80, v4, vm0, $0xb8;
	[tilespmem:$0x11100] =	vst v63  }
0x50: {  	s13 =	simm.s32 $0x6100  }
0x51: {  	[tilespmem:s13], [sflag:$0x1] =	stream.indirect_vreg.gather [hbm4b:s1+s2], $0x80, v3, vm0, $0xb8;
	[tilespmem:$0x11100] =	vst v63  }
0x52: {  	s14 =	simm.s32 $0x6900  }
0x53: {  	[tilespmem:s14], [sflag:$0x1] =	stream.indirect_vreg.gather [hbm4b:s7+s2], $0x80, v3, vm0, $0xb8;
	[tilespmem:$0x11100] =	vst v63  }
0x54: {  	s15 =	simm.s32 $0x7100  }
0x55: {  	[tilespmem:s15], [sflag:$0x1] =	stream.indirect_vreg.gather [hbm4b:s8+s2], $0x80, v3, vm0, $0xb8;
	[tilespmem:$0x11100] =	vst v63  }
0x56: {  	s16 =	simm.s32 $0x7900  }
0x57: {  	[tilespmem:s16], [sflag:$0x1] =	stream.indirect_vreg.gather [hbm4b:s9+s2], $0x80, v3, vm0, $0xb8;
	[tilespmem:$0x11100] =	vst v63  }
0x58: {  	v3 =	vld [tilespmem:$0x80];
	_ =	sdelay $0x4  }
0x59: {  	v62 =	vshll.u32 v3, $0x3  }
0x5a: {  	v3 =	vand.u32 $0x7, v3;
	v4 =	vand.u32 $0xFFFFFFC0, v62  }
0x5b: {  	v3 =	vor.u32 v3, v4  }
0x5c: {  	v4 =	vperm.xlane v3, v0;
	_ =	sdelay $0x1  }
0x5d: {  	v4 =	vadd.s32 v1, v4;
	_ =	sdelay $0x3  }
0x5e: {  	s17 =	simm.s32 $0x8100  }
0x5f: {  	[tilespmem:s17], [sflag:$0x2] =	stream.indirect_vreg.gather [hbm4b:s1+s2], $0x80, v4, vm0, $0xb8;
	[tilespmem:$0x11100] =	vst v63  }
0x60: {  	s18 =	simm.s32 $0x8900;
	v3 =	vperm.xlane v3, v2  }
0x61: {  	[tilespmem:s18], [sflag:$0x2] =	stream.indirect_vreg.gather [hbm4b:s7+s2], $0x80, v4, vm0, $0xb8;
	[tilespmem:$0x11100] =	vst v63  }
0x62: {  	s19 =	simm.s32 $0x9100;
	v3 =	vadd.s32 v1, v3  }
0x63: {  	[tilespmem:s19], [sflag:$0x2] =	stream.indirect_vreg.gather [hbm4b:s8+s2], $0x80, v4, vm0, $0xb8;
	[tilespmem:$0x11100] =	vst v63  }
0x64: {  	_ = 	snop  }
0x65: {  	[tilespmem:s20], [sflag:$0x2] =	stream.indirect_vreg.gather [hbm4b:s9+s2], $0x80, v4, vm0, $0xb8;
	[tilespmem:$0x11100] =	vst v63  }
0x66: {  	_ = 	snop  }
0x67: {  	[tilespmem:s21], [sflag:$0x2] =	stream.indirect_vreg.gather [hbm4b:s1+s2], $0x80, v3, vm0, $0xb8;
	[tilespmem:$0x11100] =	vst v63  }
0x68: {  	_ = 	snop  }
0x69: {  	[tilespmem:s22], [sflag:$0x2] =	stream.indirect_vreg.gather [hbm4b:s7+s2], $0x80, v3, vm0, $0xb8;
	[tilespmem:$0x11100] =	vst v63  }
0x6a: {  	_ = 	snop  }
0x6b: {  	[tilespmem:s23], [sflag:$0x2] =	stream.indirect_vreg.gather [hbm4b:s8+s2], $0x80, v3, vm0, $0xb8;
	[tilespmem:$0x11100] =	vst v63  }
0x6c: {  	_ = 	snop  }
0x6d: {  	[tilespmem:s25], [sflag:$0x2] =	stream.indirect_vreg.gather [hbm4b:s9+s2], $0x80, v3, vm0, $0xb8;
	[tilespmem:$0x11100] =	vst v63  }
0x6e: {  	v3 =	vld [tilespmem:$0x90];
	_ =	sdelay $0x4  }
0x6f: {  	v63 =	vshll.u32 v3, $0x3  }
0x70: {  	v3 =	vand.u32 $0x7, v3;
	v4 =	vand.u32 $0xFFFFFFC0, v63  }
0x71: {  	v3 =	vor.u32 v3, v4  }
0x72: {  	v4 =	vperm.xlane v3, v0;
	_ =	sdelay $0x1  }
0x73: {  	v4 =	vadd.s32 v1, v4;
	_ =	sdelay $0x4  }
0x74: {  	[tilespmem:s26], [sflag:$0x2] =	stream.indirect_vreg.gather [hbm4b:s1+s2], $0x80, v4, vm0, $0xb8;
	[tilespmem:$0x11100] =	vst v63  }
0x75: {  	v3 =	vperm.xlane v3, v2  }
0x76: {  	[tilespmem:s29], [sflag:$0x2] =	stream.indirect_vreg.gather [hbm4b:s7+s2], $0x80, v4, vm0, $0xb8;
	[tilespmem:$0x11100] =	vst v63  }
0x77: {  	v3 =	vadd.s32 v1, v3  }
0x78: {  	[tilespmem:s30], [sflag:$0x2] =	stream.indirect_vreg.gather [hbm4b:s8+s2], $0x80, v4, vm0, $0xb8;
	[tilespmem:$0x11100] =	vst v63  }
0x79: {  	_ = 	snop  }
0x7a: {  	[tilespmem:s31], [sflag:$0x2] =	stream.indirect_vreg.gather [hbm4b:s9+s2], $0x80, v4, vm0, $0xb8;
	[tilespmem:$0x11100] =	vst v63  }
0x7b: {  	_ = 	snop  }
0x7c: {  	[tilespmem:s0], [sflag:$0x2] =	stream.indirect_vreg.gather [hbm4b:s1+s2], $0x80, v3, vm0, $0xb8;
	[tilespmem:$0x11100] =	vst v63  }
0x7d: {  	_ = 	snop  }
0x7e: {  	[tilespmem:s3], [sflag:$0x2] =	stream.indirect_vreg.gather [hbm4b:s7+s2], $0x80, v3, vm0, $0xb8;
	[tilespmem:$0x11100] =	vst v63  }
0x7f: {  	_ = 	snop  }
0x80: {  	[tilespmem:s4], [sflag:$0x2] =	stream.indirect_vreg.gather [hbm4b:s8+s2], $0x80, v3, vm0, $0xb8;
	[tilespmem:$0x11100] =	vst v63  }
0x81: {  	_ = 	snop  }
0x82: {  	[tilespmem:s5], [sflag:$0x2] =	stream.indirect_vreg.gather [hbm4b:s9+s2], $0x80, v3, vm0, $0xb8;
	[tilespmem:$0x11100] =	vst v63  }
0x83: {  	_ =	swait.ge [sflag:s6], $0x8000  }
0x84: {  	[sflag:s6] =	ssyncset.done $0x0  }
0x85: {  	[sflag:s6] =	ssyncadd.s32 $0xFFFF8000  }
0x86: {  	_ =	swait.ge [sflag:s10], $0x8000  }
0x87: {  	[sflag:s10] =	ssyncset.done $0x0  }
0x88: {  	s12 =	simm.s32 $0x0;
	[sflag:s10] =	ssyncadd.s32 $0xFFFF8000  }
.LBB2_2:
0x89: {  	s15 =	sshll.u32 s12, $0x7;
	s13 =	sshll.u32 s12, $0xA  }
0x8a: {  	s16 =	simm.s32 $0x0;
	s13 =	sand.u32 $0x6000, s13;
	s14 =	sand.u32 $0x380, s15  }
0x8b: {  	s18 =	sand.u32 $0x1C00, s16;
	s13 =	sor.u32 s13, s14  }
0x8c: {  	s16 =	sand.u32 $0x70, s16;
	s14 =	sor.u32 s18, s13  }
0x8d: {  	s14 =	sor.u32 s16, s14  }
0x8e: {  	v4 =	vld [tilespmem:s14+$0x8100]  }
0x8f: {  	v5 =	vld [tilespmem:s14+$0x100]  }
0x90: {  	s15 =	sand.u32 $0x3FFFFF80, s15  }
0x91: {  	v3 =	vld [tilespmem:s15+$0x10100];
	_ =	sdelay $0x2  }
0x92: {  	s15 =	simm.s32 $0x80;
	v4 =	vadd.f32 v4, v5  }
0x93: {  	s19 =	simm.s32 $0x10;
	s18 =	sand.u32 $0x1C00, s15  }
0x94: {  	s17 =	sand.u32 $0x70, s19;
	s18 =	sor.u32 s18, s13;
	s16 =	simm.s32 $0x20;
	v4 =	vmul.f32 v4, v3  }
.LBB2_3:
0x95: {  	p0 =	sne.s32 s16, $0x3F0;
	s17 =	sor.u32 s17, s18  }
0x96: {  	v5 =	vld [tilespmem:s17+$0x8100];
	[tilespmem:s14+$0x100] =	vst v4;
	s14 =	smov.u32 s17  }
0x97: {  	v4 =	vld [tilespmem:s14+$0x100];
	_ =	sdelay $0x2  }
.Ltmp0:
0x98: {  	(pc) =	sbr.rel @p0 .LBB2_3-.Ltmp0, $4  }
0x99: {  	_ = 	snop  }
0x9a: {  	s15 =	sadd.s32 $0x80, s15;
	v4 =	vadd.f32 v5, v4  }
0x9b: {  	s18 =	sand.u32 $0x1C00, s15  }
0x9c: {  	s17 =	sand.u32 $0x70, s16;
	s16 =	sadd.s32 $0x10, s16;
	s18 =	sor.u32 s18, s13;
	v4 =	vmul.f32 v4, v3  }
0x9d: {  	s13 =	sor.u32 s17, s18  }
0x9e: {  	v5 =	vld [tilespmem:s13+$0x8100];
	[tilespmem:s14+$0x100] =	vst v4  }
0x9f: {  	v4 =	vld [tilespmem:s13+$0x100];
	_ =	sdelay $0x2  }
0xa0: {  	s12 =	sadd.s32 $0x1, s12  }
0xa1: {  	p0 =	sne.s32 s12, $0x20  }
.Ltmp1:
0xa2: {  	v4 =	vadd.f32 v5, v4;
	(pc) =	sbr.rel @p0 .LBB2_2-.Ltmp1, $3  }
0xa3: {  	_ = 	snop  }
0xa4: {  	v3 =	vmul.f32 v4, v3;
	_ =	sdelay $0x1  }
0xa5: {  	[tilespmem:s13+$0x100] =	vst v3  }
0xa6: {  	s12 =	simm.s32 $0x0;
	s13 =	rddreg [dreg:$0x7]  }
0xa7: {  	[hbm4b:s13+s12] =	stream.linear.scatter [tilespmem:s28], [sflag:$0x3], $0x8000, $0x38;
	[tilespmem:$0x11100] =	vst v63  }
0xa8: {  	_ =	swait.ge [sflag:s24], $0x8000  }
0xa9: {  	[sflag:s24] =	ssyncset.done $0x0  }
0xaa: {  	s16 =	rddreg [dreg:$0x8];
	[sflag:s24] =	ssyncadd.s32 $0xFFFF8000  }
0xab: {  	[tilespmem:s12], [sflag:$0x3] =	stream.linear.gather [hbm4b:s16+s12], $0x20, $0x38;
	[tilespmem:$0x11100] =	vst v63  }
0xac: {  	_ =	swait.ge [sflag:s24], $0x20  }
0xad: {  	[sflag:s24] =	ssyncset.done $0x0  }
0xae: {  	s14 =	simm.s32 $0x80;
	s17 =	rddreg [dreg:$0x9];
	[sflag:s24] =	ssyncadd.s32 $0xFFFFFFE0  }
0xaf: {  	[tilespmem:s14], [sflag:$0x3] =	stream.linear.gather [hbm4b:s17+s12], $0x20, $0x38;
	[tilespmem:$0x11100] =	vst v63  }
0xb0: {  	_ =	swait.ge [sflag:s24], $0x20  }
0xb1: {  	[sflag:s24] =	ssyncset.done $0x0  }
0xb2: {  	s19 =	simm.s32 $0x10100;
	s18 =	rddreg [dreg:$0xa];
	[sflag:s24] =	ssyncadd.s32 $0xFFFFFFE0  }
0xb3: {  	[tilespmem:s19], [sflag:$0x3] =	stream.linear.gather [hbm4b:s18+s12], $0x1000, $0x38;
	[tilespmem:$0x11100] =	vst v63  }
0xb4: {  	_ =	swait.ge [sflag:s24], $0x1000  }
0xb5: {  	[sflag:s24] =	ssyncset.done $0x0  }
0xb6: {  	[sflag:s24] =	ssyncadd.s32 $0xFFFFF000  }
0xb7: {  	v3 =	vld [tilespmem:$0x0];
	_ =	sdelay $0x4  }
0xb8: {  	v4 =	vshll.u32 v3, $0x3  }
0xb9: {  	v3 =	vand.u32 $0x7, v3;
	v4 =	vand.u32 $0xFFFFFFC0, v4  }
0xba: {  	v3 =	vor.u32 v3, v4  }
0xbb: {  	v4 =	vperm.xlane v3, v0;
	_ =	sdelay $0x1  }
0xbc: {  	v4 =	vadd.s32 v1, v4;
	_ =	sdelay $0x4  }
0xbd: {  	[tilespmem:s28], [sflag:$0x1] =	stream.indirect_vreg.gather [hbm4b:s1+s12], $0x80, v4, vm0, $0xb8;
	[tilespmem:$0x11100] =	vst v63  }
0xbe: {  	s14 =	simm.s32 $0x900;
	v3 =	vperm.xlane v3, v2  }
0xbf: {  	[tilespmem:s14], [sflag:$0x1] =	stream.indirect_vreg.gather [hbm4b:s7+s12], $0x80, v4, vm0, $0xb8;
	[tilespmem:$0x11100] =	vst v63  }
0xc0: {  	s15 =	simm.s32 $0x1100;
	v3 =	vadd.s32 v1, v3  }
0xc1: {  	[tilespmem:s15], [sflag:$0x1] =	stream.indirect_vreg.gather [hbm4b:s8+s12], $0x80, v4, vm0, $0xb8;
	[tilespmem:$0x11100] =	vst v63  }
0xc2: {  	s16 =	simm.s32 $0x1900  }
0xc3: {  	[tilespmem:s16], [sflag:$0x1] =	stream.indirect_vreg.gather [hbm4b:s9+s12], $0x80, v4, vm0, $0xb8;
	[tilespmem:$0x11100] =	vst v63  }
0xc4: {  	s17 =	simm.s32 $0x2100  }
0xc5: {  	[tilespmem:s17], [sflag:$0x1] =	stream.indirect_vreg.gather [hbm4b:s1+s12], $0x80, v3, vm0, $0xb8;
	[tilespmem:$0x11100] =	vst v63  }
0xc6: {  	s18 =	simm.s32 $0x2900  }
0xc7: {  	[tilespmem:s18], [sflag:$0x1] =	stream.indirect_vreg.gather [hbm4b:s7+s12], $0x80, v3, vm0, $0xb8;
	[tilespmem:$0x11100] =	vst v63  }
0xc8: {  	s19 =	simm.s32 $0x3100  }
0xc9: {  	[tilespmem:s19], [sflag:$0x1] =	stream.indirect_vreg.gather [hbm4b:s8+s12], $0x80, v3, vm0, $0xb8;
	[tilespmem:$0x11100] =	vst v63  }
0xca: {  	s14 =	simm.s32 $0x3900  }
0xcb: {  	[tilespmem:s14], [sflag:$0x1] =	stream.indirect_vreg.gather [hbm4b:s9+s12], $0x80, v3, vm0, $0xb8;
	[tilespmem:$0x11100] =	vst v63  }
0xcc: {  	v3 =	vld [tilespmem:$0x10];
	_ =	sdelay $0x4  }
0xcd: {  	v61 =	vshll.u32 v3, $0x3  }
0xce: {  	v3 =	vand.u32 $0x7, v3;
	v4 =	vand.u32 $0xFFFFFFC0, v61  }
0xcf: {  	v3 =	vor.u32 v3, v4  }
0xd0: {  	v4 =	vperm.xlane v3, v0;
	_ =	sdelay $0x1  }
0xd1: {  	v4 =	vadd.s32 v1, v4;
	_ =	sdelay $0x3  }
0xd2: {  	s15 =	simm.s32 $0x4100  }
0xd3: {  	[tilespmem:s15], [sflag:$0x1] =	stream.indirect_vreg.gather [hbm4b:s1+s12], $0x80, v4, vm0, $0xb8;
	[tilespmem:$0x11100] =	vst v63  }
0xd4: {  	s16 =	simm.s32 $0x4900;
	v3 =	vperm.xlane v3, v2  }
0xd5: {  	[tilespmem:s16], [sflag:$0x1] =	stream.indirect_vreg.gather [hbm4b:s7+s12], $0x80, v4, vm0, $0xb8;
	[tilespmem:$0x11100] =	vst v63  }
0xd6: {  	s17 =	simm.s32 $0x5100;
	v3 =	vadd.s32 v1, v3  }
0xd7: {  	[tilespmem:s17], [sflag:$0x1] =	stream.indirect_vreg.gather [hbm4b:s8+s12], $0x80, v4, vm0, $0xb8;
	[tilespmem:$0x11100] =	vst v63  }
0xd8: {  	s18 =	simm.s32 $0x5900  }
0xd9: {  	[tilespmem:s18], [sflag:$0x1] =	stream.indirect_vreg.gather [hbm4b:s9+s12], $0x80, v4, vm0, $0xb8;
	[tilespmem:$0x11100] =	vst v63  }
0xda: {  	s19 =	simm.s32 $0x6100  }
0xdb: {  	[tilespmem:s19], [sflag:$0x1] =	stream.indirect_vreg.gather [hbm4b:s1+s12], $0x80, v3, vm0, $0xb8;
	[tilespmem:$0x11100] =	vst v63  }
0xdc: {  	s14 =	simm.s32 $0x6900  }
0xdd: {  	[tilespmem:s14], [sflag:$0x1] =	stream.indirect_vreg.gather [hbm4b:s7+s12], $0x80, v3, vm0, $0xb8;
	[tilespmem:$0x11100] =	vst v63  }
0xde: {  	s15 =	simm.s32 $0x7100  }
0xdf: {  	[tilespmem:s15], [sflag:$0x1] =	stream.indirect_vreg.gather [hbm4b:s8+s12], $0x80, v3, vm0, $0xb8;
	[tilespmem:$0x11100] =	vst v63  }
0xe0: {  	s16 =	simm.s32 $0x7900  }
0xe1: {  	[tilespmem:s16], [sflag:$0x1] =	stream.indirect_vreg.gather [hbm4b:s9+s12], $0x80, v3, vm0, $0xb8;
	[tilespmem:$0x11100] =	vst v63  }
0xe2: {  	v3 =	vld [tilespmem:$0x80];
	_ =	sdelay $0x4  }
0xe3: {  	v62 =	vshll.u32 v3, $0x3  }
0xe4: {  	v3 =	vand.u32 $0x7, v3;
	v4 =	vand.u32 $0xFFFFFFC0, v62  }
0xe5: {  	v3 =	vor.u32 v3, v4  }
0xe6: {  	v4 =	vperm.xlane v3, v0;
	_ =	sdelay $0x1  }
0xe7: {  	v4 =	vadd.s32 v1, v4;
	_ =	sdelay $0x3  }
0xe8: {  	s17 =	simm.s32 $0x8100  }
0xe9: {  	[tilespmem:s17], [sflag:$0x2] =	stream.indirect_vreg.gather [hbm4b:s1+s12], $0x80, v4, vm0, $0xb8;
	[tilespmem:$0x11100] =	vst v63  }
0xea: {  	s18 =	simm.s32 $0x8900;
	v3 =	vperm.xlane v3, v2  }
0xeb: {  	[tilespmem:s18], [sflag:$0x2] =	stream.indirect_vreg.gather [hbm4b:s7+s12], $0x80, v4, vm0, $0xb8;
	[tilespmem:$0x11100] =	vst v63  }
0xec: {  	s19 =	simm.s32 $0x9100;
	v3 =	vadd.s32 v1, v3  }
0xed: {  	[tilespmem:s19], [sflag:$0x2] =	stream.indirect_vreg.gather [hbm4b:s8+s12], $0x80, v4, vm0, $0xb8;
	[tilespmem:$0x11100] =	vst v63  }
0xee: {  	_ = 	snop  }
0xef: {  	[tilespmem:s20], [sflag:$0x2] =	stream.indirect_vreg.gather [hbm4b:s9+s12], $0x80, v4, vm0, $0xb8;
	[tilespmem:$0x11100] =	vst v63  }
0xf0: {  	_ = 	snop  }
0xf1: {  	[tilespmem:s21], [sflag:$0x2] =	stream.indirect_vreg.gather [hbm4b:s1+s12], $0x80, v3, vm0, $0xb8;
	[tilespmem:$0x11100] =	vst v63  }
0xf2: {  	_ = 	snop  }
0xf3: {  	[tilespmem:s22], [sflag:$0x2] =	stream.indirect_vreg.gather [hbm4b:s7+s12], $0x80, v3, vm0, $0xb8;
	[tilespmem:$0x11100] =	vst v63  }
0xf4: {  	_ = 	snop  }
0xf5: {  	[tilespmem:s23], [sflag:$0x2] =	stream.indirect_vreg.gather [hbm4b:s8+s12], $0x80, v3, vm0, $0xb8;
	[tilespmem:$0x11100] =	vst v63  }
0xf6: {  	_ = 	snop  }
0xf7: {  	[tilespmem:s25], [sflag:$0x2] =	stream.indirect_vreg.gather [hbm4b:s9+s12], $0x80, v3, vm0, $0xb8;
	[tilespmem:$0x11100] =	vst v63  }
0xf8: {  	v3 =	vld [tilespmem:$0x90];
	_ =	sdelay $0x4  }
0xf9: {  	v63 =	vshll.u32 v3, $0x3  }
0xfa: {  	v3 =	vand.u32 $0x7, v3;
	v4 =	vand.u32 $0xFFFFFFC0, v63  }
0xfb: {  	v3 =	vor.u32 v3, v4  }
0xfc: {  	v4 =	vperm.xlane v3, v0;
	_ =	sdelay $0x1  }
0xfd: {  	v4 =	vadd.s32 v1, v4;
	_ =	sdelay $0x4  }
0xfe: {  	[tilespmem:s26], [sflag:$0x2] =	stream.indirect_vreg.gather [hbm4b:s1+s12], $0x80, v4, vm0, $0xb8;
	[tilespmem:$0x11100] =	vst v63  }
0xff: {  	v3 =	vperm.xlane v3, v2  }
0x100: {  	[tilespmem:s29], [sflag:$0x2] =	stream.indirect_vreg.gather [hbm4b:s7+s12], $0x80, v4, vm0, $0xb8;
	[tilespmem:$0x11100] =	vst v63  }
0x101: {  	v3 =	vadd.s32 v1, v3  }
0x102: {  	[tilespmem:s30], [sflag:$0x2] =	stream.indirect_vreg.gather [hbm4b:s8+s12], $0x80, v4, vm0, $0xb8;
	[tilespmem:$0x11100] =	vst v63  }
0x103: {  	_ = 	snop  }
0x104: {  	[tilespmem:s31], [sflag:$0x2] =	stream.indirect_vreg.gather [hbm4b:s9+s12], $0x80, v4, vm0, $0xb8;
	[tilespmem:$0x11100] =	vst v63  }
0x105: {  	_ = 	snop  }
0x106: {  	[tilespmem:s0], [sflag:$0x2] =	stream.indirect_vreg.gather [hbm4b:s1+s12], $0x80, v3, vm0, $0xb8;
	[tilespmem:$0x11100] =	vst v63  }
0x107: {  	_ = 	snop  }
0x108: {  	[tilespmem:s3], [sflag:$0x2] =	stream.indirect_vreg.gather [hbm4b:s7+s12], $0x80, v3, vm0, $0xb8;
	[tilespmem:$0x11100] =	vst v63  }
0x109: {  	_ = 	snop  }
0x10a: {  	[tilespmem:s4], [sflag:$0x2] =	stream.indirect_vreg.gather [hbm4b:s8+s12], $0x80, v3, vm0, $0xb8;
	[tilespmem:$0x11100] =	vst v63  }
0x10b: {  	_ = 	snop  }
0x10c: {  	[tilespmem:s5], [sflag:$0x2] =	stream.indirect_vreg.gather [hbm4b:s9+s12], $0x80, v3, vm0, $0xb8;
	[tilespmem:$0x11100] =	vst v63  }
0x10d: {  	_ =	swait.ge [sflag:s6], $0x8000  }
0x10e: {  	[sflag:s6] =	ssyncset.done $0x0  }
0x10f: {  	[sflag:s6] =	ssyncadd.s32 $0xFFFF8000  }
0x110: {  	_ =	swait.ge [sflag:s10], $0x8000  }
0x111: {  	[sflag:s10] =	ssyncset.done $0x0  }
0x112: {  	s13 =	simm.s32 $0x0;
	[sflag:s10] =	ssyncadd.s32 $0xFFFF8000  }
.LBB2_6:
0x113: {  	s16 =	sshll.u32 s13, $0x7;
	s14 =	sshll.u32 s13, $0xA  }
0x114: {  	s14 =	sand.u32 $0x6000, s14;
	s15 =	sand.u32 $0x380, s16  }
0x115: {  	s19 =	sand.u32 $0x1C00, s12;
	s14 =	sor.u32 s14, s15  }
0x116: {  	s17 =	sand.u32 $0x70, s12;
	s15 =	sor.u32 s19, s14  }
0x117: {  	s15 =	sor.u32 s17, s15  }
0x118: {  	v4 =	vld [tilespmem:s15+$0x8100]  }
0x119: {  	v5 =	vld [tilespmem:s15+$0x100]  }
0x11a: {  	s16 =	sand.u32 $0x3FFFFF80, s16  }
0x11b: {  	v3 =	vld [tilespmem:s16+$0x10100];
	_ =	sdelay $0x2  }
0x11c: {  	s16 =	simm.s32 $0x80;
	v4 =	vadd.f32 v4, v5  }
0x11d: {  	s18 =	simm.s32 $0x10;
	s19 =	sand.u32 $0x1C00, s16  }
0x11e: {  	s18 =	sand.u32 $0x70, s18;
	s19 =	sor.u32 s19, s14;
	s17 =	simm.s32 $0x20;
	v4 =	vmul.f32 v4, v3  }
.LBB2_7:
0x11f: {  	p0 =	sne.s32 s17, $0x3F0;
	s18 =	sor.u32 s18, s19  }
0x120: {  	v5 =	vld [tilespmem:s18+$0x8100];
	[tilespmem:s15+$0x100] =	vst v4;
	s15 =	smov.u32 s18  }
0x121: {  	v4 =	vld [tilespmem:s15+$0x100];
	_ =	sdelay $0x2  }
.Ltmp2:
0x122: {  	(pc) =	sbr.rel @p0 .LBB2_7-.Ltmp2, $4  }
0x123: {  	_ = 	snop  }
0x124: {  	s16 =	sadd.s32 $0x80, s16;
	v4 =	vadd.f32 v5, v4  }
0x125: {  	s19 =	sand.u32 $0x1C00, s16  }
0x126: {  	s18 =	sand.u32 $0x70, s17;
	s17 =	sadd.s32 $0x10, s17;
	s19 =	sor.u32 s19, s14;
	v4 =	vmul.f32 v4, v3  }
0x127: {  	s14 =	sor.u32 s18, s19  }
0x128: {  	v5 =	vld [tilespmem:s14+$0x8100];
	[tilespmem:s15+$0x100] =	vst v4  }
0x129: {  	v4 =	vld [tilespmem:s14+$0x100];
	_ =	sdelay $0x2  }
0x12a: {  	s13 =	sadd.s32 $0x1, s13  }
0x12b: {  	p0 =	sne.s32 s13, $0x20  }
.Ltmp3:
0x12c: {  	v4 =	vadd.f32 v5, v4;
	(pc) =	sbr.rel @p0 .LBB2_6-.Ltmp3, $3  }
0x12d: {  	_ = 	snop  }
0x12e: {  	v3 =	vmul.f32 v4, v3;
	_ =	sdelay $0x1  }
0x12f: {  	[tilespmem:s14+$0x100] =	vst v3  }
0x130: {  	s12 =	simm.s32 $0x0;
	s13 =	rddreg [dreg:$0xb]  }
0x131: {  	[hbm4b:s13+s12] =	stream.linear.scatter [tilespmem:s28], [sflag:$0x3], $0x8000, $0x38;
	[tilespmem:$0x11100] =	vst v63  }
0x132: {  	_ =	swait.ge [sflag:s24], $0x8000  }
0x133: {  	[sflag:s24] =	ssyncset.done $0x0  }
0x134: {  	s16 =	rddreg [dreg:$0xc];
	[sflag:s24] =	ssyncadd.s32 $0xFFFF8000  }
0x135: {  	[tilespmem:s12], [sflag:$0x3] =	stream.linear.gather [hbm4b:s16+s12], $0x20, $0x38;
	[tilespmem:$0x11100] =	vst v63  }
0x136: {  	_ =	swait.ge [sflag:s24], $0x20  }
0x137: {  	[sflag:s24] =	ssyncset.done $0x0  }
0x138: {  	s14 =	simm.s32 $0x80;
	s17 =	rddreg [dreg:$0xd];
	[sflag:s24] =	ssyncadd.s32 $0xFFFFFFE0  }
0x139: {  	[tilespmem:s14], [sflag:$0x3] =	stream.linear.gather [hbm4b:s17+s12], $0x20, $0x38;
	[tilespmem:$0x11100] =	vst v63  }
0x13a: {  	_ =	swait.ge [sflag:s24], $0x20  }
0x13b: {  	[sflag:s24] =	ssyncset.done $0x0  }
0x13c: {  	s19 =	simm.s32 $0x10100;
	s18 =	rddreg [dreg:$0xe];
	[sflag:s24] =	ssyncadd.s32 $0xFFFFFFE0  }
0x13d: {  	[tilespmem:s19], [sflag:$0x3] =	stream.linear.gather [hbm4b:s18+s12], $0x1000, $0x38;
	[tilespmem:$0x11100] =	vst v63  }
0x13e: {  	_ =	swait.ge [sflag:s24], $0x1000  }
0x13f: {  	[sflag:s24] =	ssyncset.done $0x0  }
0x140: {  	[sflag:s24] =	ssyncadd.s32 $0xFFFFF000  }
0x141: {  	v3 =	vld [tilespmem:$0x0];
	_ =	sdelay $0x4  }
0x142: {  	v4 =	vshll.u32 v3, $0x3  }
0x143: {  	v3 =	vand.u32 $0x7, v3;
	v4 =	vand.u32 $0xFFFFFFC0, v4  }
0x144: {  	v3 =	vor.u32 v3, v4  }
0x145: {  	v4 =	vperm.xlane v3, v0;
	_ =	sdelay $0x1  }
0x146: {  	v4 =	vadd.s32 v1, v4;
	_ =	sdelay $0x4  }
0x147: {  	[tilespmem:s28], [sflag:$0x1] =	stream.indirect_vreg.gather [hbm4b:s1+s12], $0x80, v4, vm0, $0xb8;
	[tilespmem:$0x11100] =	vst v63  }
0x148: {  	s14 =	simm.s32 $0x900;
	v3 =	vperm.xlane v3, v2  }
0x149: {  	[tilespmem:s14], [sflag:$0x1] =	stream.indirect_vreg.gather [hbm4b:s7+s12], $0x80, v4, vm0, $0xb8;
	[tilespmem:$0x11100] =	vst v63  }
0x14a: {  	s15 =	simm.s32 $0x1100;
	v3 =	vadd.s32 v1, v3  }
0x14b: {  	[tilespmem:s15], [sflag:$0x1] =	stream.indirect_vreg.gather [hbm4b:s8+s12], $0x80, v4, vm0, $0xb8;
	[tilespmem:$0x11100] =	vst v63  }
0x14c: {  	s16 =	simm.s32 $0x1900  }
0x14d: {  	[tilespmem:s16], [sflag:$0x1] =	stream.indirect_vreg.gather [hbm4b:s9+s12], $0x80, v4, vm0, $0xb8;
	[tilespmem:$0x11100] =	vst v63  }
0x14e: {  	s17 =	simm.s32 $0x2100  }
0x14f: {  	[tilespmem:s17], [sflag:$0x1] =	stream.indirect_vreg.gather [hbm4b:s1+s12], $0x80, v3, vm0, $0xb8;
	[tilespmem:$0x11100] =	vst v63  }
0x150: {  	s18 =	simm.s32 $0x2900  }
0x151: {  	[tilespmem:s18], [sflag:$0x1] =	stream.indirect_vreg.gather [hbm4b:s7+s12], $0x80, v3, vm0, $0xb8;
	[tilespmem:$0x11100] =	vst v63  }
0x152: {  	s19 =	simm.s32 $0x3100  }
0x153: {  	[tilespmem:s19], [sflag:$0x1] =	stream.indirect_vreg.gather [hbm4b:s8+s12], $0x80, v3, vm0, $0xb8;
	[tilespmem:$0x11100] =	vst v63  }
0x154: {  	s14 =	simm.s32 $0x3900  }
0x155: {  	[tilespmem:s14], [sflag:$0x1] =	stream.indirect_vreg.gather [hbm4b:s9+s12], $0x80, v3, vm0, $0xb8;
	[tilespmem:$0x11100] =	vst v63  }
0x156: {  	v3 =	vld [tilespmem:$0x10];
	_ =	sdelay $0x4  }
0x157: {  	v61 =	vshll.u32 v3, $0x3  }
0x158: {  	v3 =	vand.u32 $0x7, v3;
	v4 =	vand.u32 $0xFFFFFFC0, v61  }
0x159: {  	v3 =	vor.u32 v3, v4  }
0x15a: {  	v4 =	vperm.xlane v3, v0;
	_ =	sdelay $0x1  }
0x15b: {  	v4 =	vadd.s32 v1, v4;
	_ =	sdelay $0x3  }
0x15c: {  	s15 =	simm.s32 $0x4100  }
0x15d: {  	[tilespmem:s15], [sflag:$0x1] =	stream.indirect_vreg.gather [hbm4b:s1+s12], $0x80, v4, vm0, $0xb8;
	[tilespmem:$0x11100] =	vst v63  }
0x15e: {  	s16 =	simm.s32 $0x4900;
	v3 =	vperm.xlane v3, v2  }
0x15f: {  	[tilespmem:s16], [sflag:$0x1] =	stream.indirect_vreg.gather [hbm4b:s7+s12], $0x80, v4, vm0, $0xb8;
	[tilespmem:$0x11100] =	vst v63  }
0x160: {  	s17 =	simm.s32 $0x5100;
	v3 =	vadd.s32 v1, v3  }
0x161: {  	[tilespmem:s17], [sflag:$0x1] =	stream.indirect_vreg.gather [hbm4b:s8+s12], $0x80, v4, vm0, $0xb8;
	[tilespmem:$0x11100] =	vst v63  }
0x162: {  	s18 =	simm.s32 $0x5900  }
0x163: {  	[tilespmem:s18], [sflag:$0x1] =	stream.indirect_vreg.gather [hbm4b:s9+s12], $0x80, v4, vm0, $0xb8;
	[tilespmem:$0x11100] =	vst v63  }
0x164: {  	s19 =	simm.s32 $0x6100  }
0x165: {  	[tilespmem:s19], [sflag:$0x1] =	stream.indirect_vreg.gather [hbm4b:s1+s12], $0x80, v3, vm0, $0xb8;
	[tilespmem:$0x11100] =	vst v63  }
0x166: {  	s14 =	simm.s32 $0x6900  }
0x167: {  	[tilespmem:s14], [sflag:$0x1] =	stream.indirect_vreg.gather [hbm4b:s7+s12], $0x80, v3, vm0, $0xb8;
	[tilespmem:$0x11100] =	vst v63  }
0x168: {  	s15 =	simm.s32 $0x7100  }
0x169: {  	[tilespmem:s15], [sflag:$0x1] =	stream.indirect_vreg.gather [hbm4b:s8+s12], $0x80, v3, vm0, $0xb8;
	[tilespmem:$0x11100] =	vst v63  }
0x16a: {  	s16 =	simm.s32 $0x7900  }
0x16b: {  	[tilespmem:s16], [sflag:$0x1] =	stream.indirect_vreg.gather [hbm4b:s9+s12], $0x80, v3, vm0, $0xb8;
	[tilespmem:$0x11100] =	vst v63  }
0x16c: {  	v3 =	vld [tilespmem:$0x80];
	_ =	sdelay $0x4  }
0x16d: {  	v62 =	vshll.u32 v3, $0x3  }
0x16e: {  	v3 =	vand.u32 $0x7, v3;
	v4 =	vand.u32 $0xFFFFFFC0, v62  }
0x16f: {  	v3 =	vor.u32 v3, v4  }
0x170: {  	v4 =	vperm.xlane v3, v0;
	_ =	sdelay $0x1  }
0x171: {  	v4 =	vadd.s32 v1, v4;
	_ =	sdelay $0x3  }
0x172: {  	s17 =	simm.s32 $0x8100  }
0x173: {  	[tilespmem:s17], [sflag:$0x2] =	stream.indirect_vreg.gather [hbm4b:s1+s12], $0x80, v4, vm0, $0xb8;
	[tilespmem:$0x11100] =	vst v63  }
0x174: {  	s18 =	simm.s32 $0x8900;
	v3 =	vperm.xlane v3, v2  }
0x175: {  	[tilespmem:s18], [sflag:$0x2] =	stream.indirect_vreg.gather [hbm4b:s7+s12], $0x80, v4, vm0, $0xb8;
	[tilespmem:$0x11100] =	vst v63  }
0x176: {  	s19 =	simm.s32 $0x9100;
	v3 =	vadd.s32 v1, v3  }
0x177: {  	[tilespmem:s19], [sflag:$0x2] =	stream.indirect_vreg.gather [hbm4b:s8+s12], $0x80, v4, vm0, $0xb8;
	[tilespmem:$0x11100] =	vst v63  }
0x178: {  	_ = 	snop  }
0x179: {  	[tilespmem:s20], [sflag:$0x2] =	stream.indirect_vreg.gather [hbm4b:s9+s12], $0x80, v4, vm0, $0xb8;
	[tilespmem:$0x11100] =	vst v63  }
0x17a: {  	_ = 	snop  }
0x17b: {  	[tilespmem:s21], [sflag:$0x2] =	stream.indirect_vreg.gather [hbm4b:s1+s12], $0x80, v3, vm0, $0xb8;
	[tilespmem:$0x11100] =	vst v63  }
0x17c: {  	_ = 	snop  }
0x17d: {  	[tilespmem:s22], [sflag:$0x2] =	stream.indirect_vreg.gather [hbm4b:s7+s12], $0x80, v3, vm0, $0xb8;
	[tilespmem:$0x11100] =	vst v63  }
0x17e: {  	_ = 	snop  }
0x17f: {  	[tilespmem:s23], [sflag:$0x2] =	stream.indirect_vreg.gather [hbm4b:s8+s12], $0x80, v3, vm0, $0xb8;
	[tilespmem:$0x11100] =	vst v63  }
0x180: {  	_ = 	snop  }
0x181: {  	[tilespmem:s25], [sflag:$0x2] =	stream.indirect_vreg.gather [hbm4b:s9+s12], $0x80, v3, vm0, $0xb8;
	[tilespmem:$0x11100] =	vst v63  }
0x182: {  	v3 =	vld [tilespmem:$0x90];
	_ =	sdelay $0x4  }
0x183: {  	v63 =	vshll.u32 v3, $0x3  }
0x184: {  	v3 =	vand.u32 $0x7, v3;
	v4 =	vand.u32 $0xFFFFFFC0, v63  }
0x185: {  	v3 =	vor.u32 v3, v4  }
0x186: {  	v4 =	vperm.xlane v3, v0;
	_ =	sdelay $0x1  }
0x187: {  	v4 =	vadd.s32 v1, v4;
	_ =	sdelay $0x4  }
0x188: {  	[tilespmem:s26], [sflag:$0x2] =	stream.indirect_vreg.gather [hbm4b:s1+s12], $0x80, v4, vm0, $0xb8;
	[tilespmem:$0x11100] =	vst v63  }
0x189: {  	v3 =	vperm.xlane v3, v2  }
0x18a: {  	[tilespmem:s29], [sflag:$0x2] =	stream.indirect_vreg.gather [hbm4b:s7+s12], $0x80, v4, vm0, $0xb8;
	[tilespmem:$0x11100] =	vst v63  }
0x18b: {  	v3 =	vadd.s32 v1, v3  }
0x18c: {  	[tilespmem:s30], [sflag:$0x2] =	stream.indirect_vreg.gather [hbm4b:s8+s12], $0x80, v4, vm0, $0xb8;
	[tilespmem:$0x11100] =	vst v63  }
0x18d: {  	_ = 	snop  }
0x18e: {  	[tilespmem:s31], [sflag:$0x2] =	stream.indirect_vreg.gather [hbm4b:s9+s12], $0x80, v4, vm0, $0xb8;
	[tilespmem:$0x11100] =	vst v63  }
0x18f: {  	_ = 	snop  }
0x190: {  	[tilespmem:s0], [sflag:$0x2] =	stream.indirect_vreg.gather [hbm4b:s1+s12], $0x80, v3, vm0, $0xb8;
	[tilespmem:$0x11100] =	vst v63  }
0x191: {  	_ = 	snop  }
0x192: {  	[tilespmem:s3], [sflag:$0x2] =	stream.indirect_vreg.gather [hbm4b:s7+s12], $0x80, v3, vm0, $0xb8;
	[tilespmem:$0x11100] =	vst v63  }
0x193: {  	_ = 	snop  }
0x194: {  	[tilespmem:s4], [sflag:$0x2] =	stream.indirect_vreg.gather [hbm4b:s8+s12], $0x80, v3, vm0, $0xb8;
	[tilespmem:$0x11100] =	vst v63  }
0x195: {  	_ = 	snop  }
0x196: {  	[tilespmem:s5], [sflag:$0x2] =	stream.indirect_vreg.gather [hbm4b:s9+s12], $0x80, v3, vm0, $0xb8;
	[tilespmem:$0x11100] =	vst v63  }
0x197: {  	_ =	swait.ge [sflag:s6], $0x8000  }
0x198: {  	[sflag:s6] =	ssyncset.done $0x0  }
0x199: {  	[sflag:s6] =	ssyncadd.s32 $0xFFFF8000  }
0x19a: {  	_ =	swait.ge [sflag:s10], $0x8000  }
0x19b: {  	[sflag:s10] =	ssyncset.done $0x0  }
0x19c: {  	s13 =	simm.s32 $0x0;
	[sflag:s10] =	ssyncadd.s32 $0xFFFF8000  }
.LBB2_10:
0x19d: {  	s16 =	sshll.u32 s13, $0x7;
	s14 =	sshll.u32 s13, $0xA  }
0x19e: {  	s14 =	sand.u32 $0x6000, s14;
	s15 =	sand.u32 $0x380, s16  }
0x19f: {  	s19 =	sand.u32 $0x1C00, s12;
	s14 =	sor.u32 s14, s15  }
0x1a0: {  	s17 =	sand.u32 $0x70, s12;
	s15 =	sor.u32 s19, s14  }
0x1a1: {  	s15 =	sor.u32 s17, s15  }
0x1a2: {  	v4 =	vld [tilespmem:s15+$0x8100]  }
0x1a3: {  	v5 =	vld [tilespmem:s15+$0x100]  }
0x1a4: {  	s16 =	sand.u32 $0x3FFFFF80, s16  }
0x1a5: {  	v3 =	vld [tilespmem:s16+$0x10100];
	_ =	sdelay $0x2  }
0x1a6: {  	s16 =	simm.s32 $0x80;
	v4 =	vadd.f32 v4, v5  }
0x1a7: {  	s18 =	simm.s32 $0x10;
	s19 =	sand.u32 $0x1C00, s16  }
0x1a8: {  	s18 =	sand.u32 $0x70, s18;
	s19 =	sor.u32 s19, s14;
	s17 =	simm.s32 $0x20;
	v4 =	vmul.f32 v4, v3  }
.LBB2_11:
0x1a9: {  	p0 =	sne.s32 s17, $0x3F0;
	s18 =	sor.u32 s18, s19  }
0x1aa: {  	v5 =	vld [tilespmem:s18+$0x8100];
	[tilespmem:s15+$0x100] =	vst v4;
	s15 =	smov.u32 s18  }
0x1ab: {  	v4 =	vld [tilespmem:s15+$0x100];
	_ =	sdelay $0x2  }
.Ltmp4:
0x1ac: {  	(pc) =	sbr.rel @p0 .LBB2_11-.Ltmp4, $4  }
0x1ad: {  	_ = 	snop  }
0x1ae: {  	s16 =	sadd.s32 $0x80, s16;
	v4 =	vadd.f32 v5, v4  }
0x1af: {  	s19 =	sand.u32 $0x1C00, s16  }
0x1b0: {  	s18 =	sand.u32 $0x70, s17;
	s17 =	sadd.s32 $0x10, s17;
	s19 =	sor.u32 s19, s14;
	v4 =	vmul.f32 v4, v3  }
0x1b1: {  	s14 =	sor.u32 s18, s19  }
0x1b2: {  	v5 =	vld [tilespmem:s14+$0x8100];
	[tilespmem:s15+$0x100] =	vst v4  }
0x1b3: {  	v4 =	vld [tilespmem:s14+$0x100];
	_ =	sdelay $0x2  }
0x1b4: {  	s13 =	sadd.s32 $0x1, s13  }
0x1b5: {  	p0 =	sne.s32 s13, $0x20  }
.Ltmp5:
0x1b6: {  	v4 =	vadd.f32 v5, v4;
	(pc) =	sbr.rel @p0 .LBB2_10-.Ltmp5, $3  }
0x1b7: {  	_ = 	snop  }
0x1b8: {  	v3 =	vmul.f32 v4, v3;
	_ =	sdelay $0x1  }
0x1b9: {  	[tilespmem:s14+$0x100] =	vst v3  }
0x1ba: {  	s12 =	simm.s32 $0x0;
	s13 =	rddreg [dreg:$0x11]  }
0x1bb: {  	[hbm4b:s13+s12] =	stream.linear.scatter [tilespmem:s28], [sflag:$0x3], $0x8000, $0x38;
	[tilespmem:$0x11100] =	vst v63  }
0x1bc: {  	_ =	swait.ge [sflag:s24], $0x8000  }
0x1bd: {  	[sflag:s24] =	ssyncset.done $0x0  }
0x1be: {  	s16 =	rddreg [dreg:$0xf];
	[sflag:s24] =	ssyncadd.s32 $0xFFFF8000  }
0x1bf: {  	[tilespmem:s12], [sflag:$0x3] =	stream.linear.gather [hbm4b:s16+s12], $0x20, $0x38;
	[tilespmem:$0x11100] =	vst v63  }
0x1c0: {  	_ =	swait.ge [sflag:s24], $0x20  }
0x1c1: {  	[sflag:s24] =	ssyncset.done $0x0  }
0x1c2: {  	s14 =	simm.s32 $0x80;
	s17 =	rddreg [dreg:$0x10];
	[sflag:s24] =	ssyncadd.s32 $0xFFFFFFE0  }
0x1c3: {  	[tilespmem:s14], [sflag:$0x3] =	stream.linear.gather [hbm4b:s17+s12], $0x20, $0x38;
	[tilespmem:$0x11100] =	vst v63  }
0x1c4: {  	_ =	swait.ge [sflag:s24], $0x20  }
0x1c5: {  	[sflag:s24] =	ssyncset.done $0x0  }
0x1c6: {  	s19 =	simm.s32 $0x10100;
	s18 =	rddreg [dreg:$0x12];
	[sflag:s24] =	ssyncadd.s32 $0xFFFFFFE0  }
0x1c7: {  	[tilespmem:s19], [sflag:$0x3] =	stream.linear.gather [hbm4b:s18+s12], $0x1000, $0x38;
	[tilespmem:$0x11100] =	vst v63  }
0x1c8: {  	_ =	swait.ge [sflag:s24], $0x1000  }
0x1c9: {  	[sflag:s24] =	ssyncset.done $0x0  }
0x1ca: {  	[sflag:s24] =	ssyncadd.s32 $0xFFFFF000  }
0x1cb: {  	v3 =	vld [tilespmem:$0x0];
	_ =	sdelay $0x4  }
0x1cc: {  	v4 =	vshll.u32 v3, $0x3  }
0x1cd: {  	v3 =	vand.u32 $0x7, v3;
	v4 =	vand.u32 $0xFFFFFFC0, v4  }
0x1ce: {  	v3 =	vor.u32 v3, v4  }
0x1cf: {  	v4 =	vperm.xlane v3, v0;
	_ =	sdelay $0x1  }
0x1d0: {  	v4 =	vadd.s32 v1, v4;
	_ =	sdelay $0x4  }
0x1d1: {  	[tilespmem:s28], [sflag:$0x1] =	stream.indirect_vreg.gather [hbm4b:s1+s12], $0x80, v4, vm0, $0xb8;
	[tilespmem:$0x11100] =	vst v63  }
0x1d2: {  	s14 =	simm.s32 $0x900;
	v3 =	vperm.xlane v3, v2  }
0x1d3: {  	[tilespmem:s14], [sflag:$0x1] =	stream.indirect_vreg.gather [hbm4b:s7+s12], $0x80, v4, vm0, $0xb8;
	[tilespmem:$0x11100] =	vst v63  }
0x1d4: {  	s15 =	simm.s32 $0x1100;
	v3 =	vadd.s32 v1, v3  }
0x1d5: {  	[tilespmem:s15], [sflag:$0x1] =	stream.indirect_vreg.gather [hbm4b:s8+s12], $0x80, v4, vm0, $0xb8;
	[tilespmem:$0x11100] =	vst v63  }
0x1d6: {  	s16 =	simm.s32 $0x1900  }
0x1d7: {  	[tilespmem:s16], [sflag:$0x1] =	stream.indirect_vreg.gather [hbm4b:s9+s12], $0x80, v4, vm0, $0xb8;
	[tilespmem:$0x11100] =	vst v63  }
0x1d8: {  	s17 =	simm.s32 $0x2100  }
0x1d9: {  	[tilespmem:s17], [sflag:$0x1] =	stream.indirect_vreg.gather [hbm4b:s1+s12], $0x80, v3, vm0, $0xb8;
	[tilespmem:$0x11100] =	vst v63  }
0x1da: {  	s18 =	simm.s32 $0x2900  }
0x1db: {  	[tilespmem:s18], [sflag:$0x1] =	stream.indirect_vreg.gather [hbm4b:s7+s12], $0x80, v3, vm0, $0xb8;
	[tilespmem:$0x11100] =	vst v63  }
0x1dc: {  	s19 =	simm.s32 $0x3100  }
0x1dd: {  	[tilespmem:s19], [sflag:$0x1] =	stream.indirect_vreg.gather [hbm4b:s8+s12], $0x80, v3, vm0, $0xb8;
	[tilespmem:$0x11100] =	vst v63  }
0x1de: {  	s14 =	simm.s32 $0x3900  }
0x1df: {  	[tilespmem:s14], [sflag:$0x1] =	stream.indirect_vreg.gather [hbm4b:s9+s12], $0x80, v3, vm0, $0xb8;
	[tilespmem:$0x11100] =	vst v63  }
0x1e0: {  	v3 =	vld [tilespmem:$0x10];
	_ =	sdelay $0x4  }
0x1e1: {  	v61 =	vshll.u32 v3, $0x3  }
0x1e2: {  	v3 =	vand.u32 $0x7, v3;
	v4 =	vand.u32 $0xFFFFFFC0, v61  }
0x1e3: {  	v3 =	vor.u32 v3, v4  }
0x1e4: {  	v4 =	vperm.xlane v3, v0;
	_ =	sdelay $0x1  }
0x1e5: {  	v4 =	vadd.s32 v1, v4;
	_ =	sdelay $0x3  }
0x1e6: {  	s15 =	simm.s32 $0x4100  }
0x1e7: {  	[tilespmem:s15], [sflag:$0x1] =	stream.indirect_vreg.gather [hbm4b:s1+s12], $0x80, v4, vm0, $0xb8;
	[tilespmem:$0x11100] =	vst v63  }
0x1e8: {  	s16 =	simm.s32 $0x4900;
	v3 =	vperm.xlane v3, v2  }
0x1e9: {  	[tilespmem:s16], [sflag:$0x1] =	stream.indirect_vreg.gather [hbm4b:s7+s12], $0x80, v4, vm0, $0xb8;
	[tilespmem:$0x11100] =	vst v63  }
0x1ea: {  	s17 =	simm.s32 $0x5100;
	v3 =	vadd.s32 v1, v3  }
0x1eb: {  	[tilespmem:s17], [sflag:$0x1] =	stream.indirect_vreg.gather [hbm4b:s8+s12], $0x80, v4, vm0, $0xb8;
	[tilespmem:$0x11100] =	vst v63  }
0x1ec: {  	s18 =	simm.s32 $0x5900  }
0x1ed: {  	[tilespmem:s18], [sflag:$0x1] =	stream.indirect_vreg.gather [hbm4b:s9+s12], $0x80, v4, vm0, $0xb8;
	[tilespmem:$0x11100] =	vst v63  }
0x1ee: {  	s19 =	simm.s32 $0x6100  }
0x1ef: {  	[tilespmem:s19], [sflag:$0x1] =	stream.indirect_vreg.gather [hbm4b:s1+s12], $0x80, v3, vm0, $0xb8;
	[tilespmem:$0x11100] =	vst v63  }
0x1f0: {  	s14 =	simm.s32 $0x6900  }
0x1f1: {  	[tilespmem:s14], [sflag:$0x1] =	stream.indirect_vreg.gather [hbm4b:s7+s12], $0x80, v3, vm0, $0xb8;
	[tilespmem:$0x11100] =	vst v63  }
0x1f2: {  	s15 =	simm.s32 $0x7100  }
0x1f3: {  	[tilespmem:s15], [sflag:$0x1] =	stream.indirect_vreg.gather [hbm4b:s8+s12], $0x80, v3, vm0, $0xb8;
	[tilespmem:$0x11100] =	vst v63  }
0x1f4: {  	s16 =	simm.s32 $0x7900  }
0x1f5: {  	[tilespmem:s16], [sflag:$0x1] =	stream.indirect_vreg.gather [hbm4b:s9+s12], $0x80, v3, vm0, $0xb8;
	[tilespmem:$0x11100] =	vst v63  }
0x1f6: {  	v3 =	vld [tilespmem:$0x80];
	_ =	sdelay $0x4  }
0x1f7: {  	v62 =	vshll.u32 v3, $0x3  }
0x1f8: {  	v3 =	vand.u32 $0x7, v3;
	v4 =	vand.u32 $0xFFFFFFC0, v62  }
0x1f9: {  	v3 =	vor.u32 v3, v4  }
0x1fa: {  	v4 =	vperm.xlane v3, v0;
	_ =	sdelay $0x1  }
0x1fb: {  	v4 =	vadd.s32 v1, v4;
	_ =	sdelay $0x3  }
0x1fc: {  	s17 =	simm.s32 $0x8100  }
0x1fd: {  	[tilespmem:s17], [sflag:$0x2] =	stream.indirect_vreg.gather [hbm4b:s1+s12], $0x80, v4, vm0, $0xb8;
	[tilespmem:$0x11100] =	vst v63  }
0x1fe: {  	s18 =	simm.s32 $0x8900;
	v3 =	vperm.xlane v3, v2  }
0x1ff: {  	[tilespmem:s18], [sflag:$0x2] =	stream.indirect_vreg.gather [hbm4b:s7+s12], $0x80, v4, vm0, $0xb8;
	[tilespmem:$0x11100] =	vst v63  }
0x200: {  	s19 =	simm.s32 $0x9100;
	v3 =	vadd.s32 v1, v3  }
0x201: {  	[tilespmem:s19], [sflag:$0x2] =	stream.indirect_vreg.gather [hbm4b:s8+s12], $0x80, v4, vm0, $0xb8;
	[tilespmem:$0x11100] =	vst v63  }
0x202: {  	_ = 	snop  }
0x203: {  	[tilespmem:s20], [sflag:$0x2] =	stream.indirect_vreg.gather [hbm4b:s9+s12], $0x80, v4, vm0, $0xb8;
	[tilespmem:$0x11100] =	vst v63  }
0x204: {  	_ = 	snop  }
0x205: {  	[tilespmem:s21], [sflag:$0x2] =	stream.indirect_vreg.gather [hbm4b:s1+s12], $0x80, v3, vm0, $0xb8;
	[tilespmem:$0x11100] =	vst v63  }
0x206: {  	_ = 	snop  }
0x207: {  	[tilespmem:s22], [sflag:$0x2] =	stream.indirect_vreg.gather [hbm4b:s7+s12], $0x80, v3, vm0, $0xb8;
	[tilespmem:$0x11100] =	vst v63  }
0x208: {  	_ = 	snop  }
0x209: {  	[tilespmem:s23], [sflag:$0x2] =	stream.indirect_vreg.gather [hbm4b:s8+s12], $0x80, v3, vm0, $0xb8;
	[tilespmem:$0x11100] =	vst v63  }
0x20a: {  	_ = 	snop  }
0x20b: {  	[tilespmem:s25], [sflag:$0x2] =	stream.indirect_vreg.gather [hbm4b:s9+s12], $0x80, v3, vm0, $0xb8;
	[tilespmem:$0x11100] =	vst v63  }
0x20c: {  	v3 =	vld [tilespmem:$0x90];
	_ =	sdelay $0x4  }
0x20d: {  	v63 =	vshll.u32 v3, $0x3  }
0x20e: {  	v3 =	vand.u32 $0x7, v3;
	v4 =	vand.u32 $0xFFFFFFC0, v63  }
0x20f: {  	v3 =	vor.u32 v3, v4  }
0x210: {  	v4 =	vperm.xlane v3, v0;
	_ =	sdelay $0x1  }
0x211: {  	v4 =	vadd.s32 v1, v4;
	_ =	sdelay $0x4  }
0x212: {  	[tilespmem:s26], [sflag:$0x2] =	stream.indirect_vreg.gather [hbm4b:s1+s12], $0x80, v4, vm0, $0xb8;
	[tilespmem:$0x11100] =	vst v63  }
0x213: {  	v3 =	vperm.xlane v3, v2  }
0x214: {  	[tilespmem:s29], [sflag:$0x2] =	stream.indirect_vreg.gather [hbm4b:s7+s12], $0x80, v4, vm0, $0xb8;
	[tilespmem:$0x11100] =	vst v63  }
0x215: {  	v3 =	vadd.s32 v1, v3  }
0x216: {  	[tilespmem:s30], [sflag:$0x2] =	stream.indirect_vreg.gather [hbm4b:s8+s12], $0x80, v4, vm0, $0xb8;
	[tilespmem:$0x11100] =	vst v63  }
0x217: {  	_ = 	snop  }
0x218: {  	[tilespmem:s31], [sflag:$0x2] =	stream.indirect_vreg.gather [hbm4b:s9+s12], $0x80, v4, vm0, $0xb8;
	[tilespmem:$0x11100] =	vst v63  }
0x219: {  	_ = 	snop  }
0x21a: {  	[tilespmem:s0], [sflag:$0x2] =	stream.indirect_vreg.gather [hbm4b:s1+s12], $0x80, v3, vm0, $0xb8;
	[tilespmem:$0x11100] =	vst v63  }
0x21b: {  	_ = 	snop  }
0x21c: {  	[tilespmem:s3], [sflag:$0x2] =	stream.indirect_vreg.gather [hbm4b:s7+s12], $0x80, v3, vm0, $0xb8;
	[tilespmem:$0x11100] =	vst v63  }
0x21d: {  	_ = 	snop  }
0x21e: {  	[tilespmem:s4], [sflag:$0x2] =	stream.indirect_vreg.gather [hbm4b:s8+s12], $0x80, v3, vm0, $0xb8;
	[tilespmem:$0x11100] =	vst v63  }
0x21f: {  	_ = 	snop  }
0x220: {  	[tilespmem:s5], [sflag:$0x2] =	stream.indirect_vreg.gather [hbm4b:s9+s12], $0x80, v3, vm0, $0xb8;
	[tilespmem:$0x11100] =	vst v63  }
0x221: {  	_ =	swait.ge [sflag:s6], $0x8000  }
0x222: {  	[sflag:s6] =	ssyncset.done $0x0  }
0x223: {  	[sflag:s6] =	ssyncadd.s32 $0xFFFF8000  }
0x224: {  	_ =	swait.ge [sflag:s10], $0x8000  }
0x225: {  	[sflag:s10] =	ssyncset.done $0x0  }
0x226: {  	s13 =	simm.s32 $0x0;
	[sflag:s10] =	ssyncadd.s32 $0xFFFF8000  }
.LBB2_14:
0x227: {  	s16 =	sshll.u32 s13, $0x7;
	s14 =	sshll.u32 s13, $0xA  }
0x228: {  	s14 =	sand.u32 $0x6000, s14;
	s15 =	sand.u32 $0x380, s16  }
0x229: {  	s19 =	sand.u32 $0x1C00, s12;
	s14 =	sor.u32 s14, s15  }
0x22a: {  	s17 =	sand.u32 $0x70, s12;
	s15 =	sor.u32 s19, s14  }
0x22b: {  	s15 =	sor.u32 s17, s15  }
0x22c: {  	v4 =	vld [tilespmem:s15+$0x8100]  }
0x22d: {  	v5 =	vld [tilespmem:s15+$0x100]  }
0x22e: {  	s16 =	sand.u32 $0x3FFFFF80, s16  }
0x22f: {  	v3 =	vld [tilespmem:s16+$0x10100];
	_ =	sdelay $0x2  }
0x230: {  	s16 =	simm.s32 $0x80;
	v4 =	vadd.f32 v4, v5  }
0x231: {  	s18 =	simm.s32 $0x10;
	s19 =	sand.u32 $0x1C00, s16  }
0x232: {  	s18 =	sand.u32 $0x70, s18;
	s19 =	sor.u32 s19, s14;
	s17 =	simm.s32 $0x20;
	v4 =	vmul.f32 v4, v3  }
.LBB2_15:
0x233: {  	p0 =	sne.s32 s17, $0x3F0;
	s18 =	sor.u32 s18, s19  }
0x234: {  	v5 =	vld [tilespmem:s18+$0x8100];
	[tilespmem:s15+$0x100] =	vst v4;
	s15 =	smov.u32 s18  }
0x235: {  	v4 =	vld [tilespmem:s15+$0x100];
	_ =	sdelay $0x2  }
.Ltmp6:
0x236: {  	(pc) =	sbr.rel @p0 .LBB2_15-.Ltmp6, $4  }
0x237: {  	_ = 	snop  }
0x238: {  	s16 =	sadd.s32 $0x80, s16;
	v4 =	vadd.f32 v5, v4  }
0x239: {  	s19 =	sand.u32 $0x1C00, s16  }
0x23a: {  	s18 =	sand.u32 $0x70, s17;
	s17 =	sadd.s32 $0x10, s17;
	s19 =	sor.u32 s19, s14;
	v4 =	vmul.f32 v4, v3  }
0x23b: {  	s14 =	sor.u32 s18, s19  }
0x23c: {  	v5 =	vld [tilespmem:s14+$0x8100];
	[tilespmem:s15+$0x100] =	vst v4  }
0x23d: {  	v4 =	vld [tilespmem:s14+$0x100];
	_ =	sdelay $0x2  }
0x23e: {  	s13 =	sadd.s32 $0x1, s13  }
0x23f: {  	p0 =	sne.s32 s13, $0x20  }
.Ltmp7:
0x240: {  	v4 =	vadd.f32 v5, v4;
	(pc) =	sbr.rel @p0 .LBB2_14-.Ltmp7, $3  }
0x241: {  	_ = 	snop  }
0x242: {  	v3 =	vmul.f32 v4, v3;
	_ =	sdelay $0x1  }
0x243: {  	[tilespmem:s14+$0x100] =	vst v3  }
0x244: {  	s12 =	rddreg [dreg:$0x13]  }
0x245: {  	[hbm4b:s12+s2] =	stream.linear.scatter [tilespmem:s28], [sflag:$0x3], $0x8000, $0x38;
	[tilespmem:$0x11100] =	vst v63  }
0x246: {  	_ =	swait.ge [sflag:s24], $0x8000  }
0x247: {  	s11 =	sadd.s32 $0x1, s11;
	s19 =	rddreg [dreg:$0x14]  }
0x248: {  	p0 =	sne.s32 s11, s19  }
.Ltmp8:
0x249: {  	_ = 	snop;
	(pc) =	sbr.rel @p0 .LBB2_1-.Ltmp8, $3  }
0x24a: {  	_ =	sdelay $0x1  }
0x24b: {  	[sflag:s24] =	ssyncset.done $0x0  }
0x24c: {  	[sflag:s24] =	ssyncadd.s32 $0xFFFF8000  }
0x24d: {  	_ =	sfence.sel $0x180000  }
0x24e: {  	[bflag:$0x0] =	sbarrier.arrive $0xFFFF  }
0x24f: {  	_ =	strace $0x90000047  }
0x250: {  	s0 =	stileid.u32;
	[bflag:$0x2] =	sbarrier.arrive $0xFFFF  }
0x251: {  	p0 =	sne.s32 s0, $0x0;
	s0 =	rddreg [dreg:$0x3]  }
0x252: {  	s0 =	sadd.s32 @!p0 $0x100000, s0  }
0x253: {  	[sflag:s0] =	ssyncadd.tile.s32 @!p0 $0x1;
	_ =	shalt  }
.Lfunc_end2:
_tile_overlayer_lowered:
.L_overlay_start_2:
0x254: {  	(tag) =	ssettag $0x2  }
0x255: {  	s0 =	rddreg [dreg:$0x0];
	s2 =	stileid.u32  }
0x256: {  	s1 =	rddreg [dreg:$0x1];
	p0 =	sne.s32 s2, $0x0  }
0x257: {  	s3 =	rddreg [dreg:$0x2];
	[bflag:$0x3] =	sbarrier.arrive $0xFFFF;
	s2 =	simm.s32 @!p0 $0x1C03  }
0x258: {  	[timem:s3], [sflag:s2] =	dma.local @!p0 [hbm:s0], s1  }
0x259: {  	s0 =	simm.s32 @!p0 $0x3  }
0x25a: {  	_ =	swait.ge @!p0 [sflag:s0], s1  }
0x25b: {  	s1 =	ssub.s32 @!p0 $0x0, s1;
	[sflag:s0] =	ssyncset.done @!p0 $0x0  }
0x25c: {  	[sflag:s0] =	ssyncadd.s32 @!p0 s1  }
0x25d: {  	[bflag:$0x3] =	sbarrier.arrive $0xFFFF  }
0x25e: {  	_ =	shalt  }

</sc_bundles>
